<compile_context>
chip_gen: v7x
topology: tpu7x:2x2x1
jax: 0.10.2.dev20260603
libtpu: 0.0.44.dev20260713+nightly
codegen_flags: <defaults>
</compile_context>

<pallas_src>
import jax
import jax.numpy as jnp
from jax import lax
from jax.experimental import pallas as pl
from jax.experimental.pallas import tpu as pltpu
from jax.experimental.pallas import tpu_sc as plsc

VOCAB = 1000000
BLOCK = 200
EMBED = 64
B = 4096
L = 200
R = B * L
C = 128
CPL = B // C
ITEMS = R // C
PADW = 2 * EMBED

NC, NS = 2, 16
NW = NC * NS
IPT = ITEMS // NW
NBUF = 4


def _sc_body(emb_hbm, xt_hbm, pos_hbm, out_hbm, idx_v, rows_v, pos_v,
             gsem, osem):
    wid = lax.axis_index("s") * NC + lax.axis_index("c")
    base = wid * IPT
    pltpu.sync_copy(pos_hbm, pos_v)
    pltpu.sync_copy(xt_hbm.at[pl.ds(base, IPT)], idx_v)

    def fire(t, s):
        pltpu.async_copy(emb_hbm.at[idx_v.at[t]], rows_v.at[s], gsem[s])

    def gwait(t, s):
        pltpu.make_async_copy(
            emb_hbm.at[idx_v.at[t]], rows_v.at[s], gsem[s]).wait()

    def out_desc(t, s):
        i = base + t
        l = i // CPL
        b0 = (i % CPL) * C
        return pltpu.make_async_copy(
            rows_v.at[s], out_hbm.at[l, pl.ds(b0, C)], osem[s])

    def consume(t, s):
        i = base + t
        l = i // CPL
        gwait(t, s)
        p = [pos_v[l, pl.ds(k * 16, 16)] for k in range(EMBED // 16)]

        @plsc.parallel_loop(0, C, 1, unroll=4)
        def _(j):
            for k in range(EMBED // 16):
                rows_v[s, j, pl.ds(k * 16, 16)] += p[k]

        out_desc(t, s).start()

    for s in range(NBUF - 1):
        fire(s, s)

    @pl.loop(0, IPT, step=NBUF)
    def _(t):
        for s in range(NBUF):
            tt = t + s
            ns = (s + NBUF - 1) % NBUF

            @pl.when(tt + NBUF - 1 < IPT)
            def _():
                @pl.when(tt > 0)
                def _():
                    out_desc(tt - 1, ns).wait()
                fire(tt + NBUF - 1, ns)

            consume(tt, s)

    for s in range(NBUF):
        out_desc(IPT - NBUF + s, s).wait()


NCOL = 32768
NBLK = (VOCAB + NCOL - 1) // NCOL


def _tc_body(et_ref, out_ref):
    out_ref[:, :EMBED] = jnp.swapaxes(et_ref[...], 0, 1)


def _tc_pad_transpose(emb_t):
    return pl.pallas_call(
        _tc_body,
        grid=(NBLK,),
        in_specs=[pl.BlockSpec((EMBED, NCOL), lambda j: (0, j))],
        out_specs=pl.BlockSpec((NCOL, PADW), lambda j: (j, 0)),
        out_shape=jax.ShapeDtypeStruct((VOCAB, PADW), jnp.float32),
    )(emb_t)


@jax.jit
def _sc_lookup(embp, xt, pos_table):
    mesh = plsc.VectorSubcoreMesh(core_axis_name="c", subcore_axis_name="s")
    return pl.kernel(
        _sc_body,
        out_type=jax.ShapeDtypeStruct((L, B, PADW), jnp.float32),
        mesh=mesh,
        compiler_params=pltpu.CompilerParams(
            use_tc_tiling_on_sc=True, needs_layout_passes=False),
        scratch_types=[
            pltpu.VMEM((IPT, C), jnp.int32),
            pltpu.VMEM((NBUF, C, PADW), jnp.float32),
            pltpu.VMEM((BLOCK, EMBED), jnp.float32),
            [pltpu.SemaphoreType.DMA] * NBUF,
            [pltpu.SemaphoreType.DMA] * NBUF,
        ],
    )(embp, xt, pos_table)


def kernel(x, emb_table, pos_table):
    xt = x.T.reshape(R // C, C)
    embp = _tc_pad_transpose(emb_table.T)
    out = _sc_lookup(embp, xt, pos_table)
    return out[:, :, :EMBED]

# --- scband reference (transcript-rebuilt; emitter-appended) ---
"""Pipeline reference for scband-encoder-12000138625746 (READ-ONLY COPY).

The authoritative reference and input builder live on the scoring server;
editing this copy changes nothing except your own understanding.
"""

import jax, jax.numpy as jnp
import numpy as np

VOCAB = 1000000
BLOCK = 200
EMBED = 64
PAD = 0
B = 4096
L = 200


def setup_inputs(seed: int = 0) -> dict:
    key = jax.random.key(seed)
    k1, k2, k3 = jax.random.split(key, 3)
    x = jax.random.randint(k1, (B, L), 0, VOCAB, dtype=jnp.int64) if jax.config.jax_enable_x64 else jax.random.randint(k1, (B, L), 0, VOCAB, dtype=jnp.int32)
    emb_table = jax.random.normal(k2, (VOCAB, EMBED), dtype=jnp.float32) * 0.02
    # padding_idx row is initialized to zeros in torch nn.Embedding
    emb_table = emb_table.at[PAD].set(0.0)
    pos_table = jax.random.normal(k3, (BLOCK, EMBED), dtype=jnp.float32) * 0.02
    return {"x": x, "emb_table": emb_table, "pos_table": pos_table}


def reference(x, emb_table, pos_table):
    # token embedding lookup: gather rows of emb_table
    token_embedding = jnp.take(emb_table, x, axis=0)  # [B, L, D]
    # positional encoding: lookup rows [0, L) and broadcast over batch
    pos_indices = jnp.arange(x.shape[1])
    pos_encoding = jnp.take(pos_table, pos_indices, axis=0)[None, :, :]  # [1, L, D]
    out = token_embedding + pos_encoding  # broadcast over batch
    # x.transpose(0, 1) in torch -> swap first two axes
    out = jnp.transpose(out, (1, 0, 2))  # [L, B, D]
    return out

if __name__ == "__main__":
    import jax
    _d = setup_inputs()
    print(jax.jit(kernel)(*tuple(_d.values())))

</pallas_src>

<mosaic_0001>
#map = affine_map<(d0, d1) -> (0, 0)>
#map1 = affine_map<(d0, d1) -> (0, 0, 0)>
module attributes {stable_mosaic.version = 14 : i64} {
  func.func @_sc_body(%arg0: i32, %arg1: i32, %arg2: memref<1000000x128xf32, #tpu.memory_space<hbm>>, %arg3: memref<6400x128xi32, #tpu.memory_space<hbm>>, %arg4: memref<200x64xf32, #tpu.memory_space<hbm>>, %arg5: memref<200x4096x128xf32, #tpu.memory_space<hbm>>, %arg6: memref<200x128xi32, #tpu.memory_space<vmem>>, %arg7: memref<4x128x128xf32, #tpu.memory_space<vmem>>, %arg8: memref<200x64xf32, #tpu.memory_space<vmem>>, %arg9: memref<!tpu.dma_semaphore, #tpu.memory_space<semaphore_mem>>, %arg10: memref<!tpu.dma_semaphore, #tpu.memory_space<semaphore_mem>>, %arg11: memref<!tpu.dma_semaphore, #tpu.memory_space<semaphore_mem>>, %arg12: memref<!tpu.dma_semaphore, #tpu.memory_space<semaphore_mem>>, %arg13: memref<!tpu.dma_semaphore, #tpu.memory_space<semaphore_mem>>, %arg14: memref<!tpu.dma_semaphore, #tpu.memory_space<semaphore_mem>>, %arg15: memref<!tpu.dma_semaphore, #tpu.memory_space<semaphore_mem>>, %arg16: memref<!tpu.dma_semaphore, #tpu.memory_space<semaphore_mem>>) attributes {dimension_semantics = [#tpu.dimension_semantics<core_parallel>, #tpu.dimension_semantics<subcore_parallel>], iteration_bounds = array<i64: 2, 16>, scalar_prefetch = 0 : i64, scratch_operands = 11 : i64, tpu.core_type = #tpu.core_type<sc_vector_subcore>, window_params = [{transform_indices = #map}, {transform_indices = #map}, {transform_indices = #map}, {transform_indices = #map1}]} {
    %mul3A = arith.constant 2 : i32
    %mul3A_0 = arith.muli %arg1, %mul3A : i32
    %add3A = arith.addi %mul3A_0, %arg0 : i32
    %mul3A_1 = arith.constant 200 : i32
    %mul3A_2 = arith.muli %add3A, %mul3A_1 : i32
    "tpu.region"() ({
      %run_scoped3A = tpu.sem_alloc : memref<!tpu.dma_semaphore, #tpu.memory_space<semaphore_mem>>
      tpu.enqueue_dma source(%arg4 : memref<200x64xf32, #tpu.memory_space<hbm>>) target(%arg8 : memref<200x64xf32, #tpu.memory_space<vmem>>) target_semaphore(%run_scoped3A : memref<!tpu.dma_semaphore, #tpu.memory_space<semaphore_mem>>)
      tpu.wait_dma2 semaphore(%run_scoped3A : memref<!tpu.dma_semaphore, #tpu.memory_space<semaphore_mem>>) src(%arg4 : memref<200x64xf32, #tpu.memory_space<hbm>>) dst(%arg8 : memref<200x64xf32, #tpu.memory_space<vmem>>)
      tpu.yield
    }) : () -> ()
    "tpu.region"() ({
      %run_scoped3A = tpu.sem_alloc : memref<!tpu.dma_semaphore, #tpu.memory_space<semaphore_mem>>
      %dma_start3A_267 = arith.constant 0 : i32
      %dma_start3A_268 = tpu.memref_slice %arg3[%mul3A_2, %dma_start3A_267] : memref<6400x128xi32, #tpu.memory_space<hbm>> -> memref<200x128xi32, #tpu.memory_space<hbm>>
      %dma_start3A_269 = arith.constant 0 : i32
      %dma_start3A_270 = tpu.memref_slice %arg3[%mul3A_2, %dma_start3A_269] : memref<6400x128xi32, #tpu.memory_space<hbm>> -> memref<200x128xi32, #tpu.memory_space<hbm>>
      tpu.enqueue_dma source(%dma_start3A_270 : memref<200x128xi32, #tpu.memory_space<hbm>>) target(%arg6 : memref<200x128xi32, #tpu.memory_space<vmem>>) target_semaphore(%run_scoped3A : memref<!tpu.dma_semaphore, #tpu.memory_space<semaphore_mem>>)
      %dma_wait3A_271 = arith.constant 0 : i32
      %dma_wait3A_272 = tpu.memref_slice %arg3[%mul3A_2, %dma_wait3A_271] : memref<6400x128xi32, #tpu.memory_space<hbm>> -> memref<200x128xi32, #tpu.memory_space<hbm>>
      %dma_wait3A_273 = arith.constant 0 : i32
      %dma_wait3A_274 = tpu.memref_slice %arg3[%mul3A_2, %dma_wait3A_273] : memref<6400x128xi32, #tpu.memory_space<hbm>> -> memref<200x128xi32, #tpu.memory_space<hbm>>
      tpu.wait_dma2 semaphore(%run_scoped3A : memref<!tpu.dma_semaphore, #tpu.memory_space<semaphore_mem>>) src(%dma_wait3A_274 : memref<200x128xi32, #tpu.memory_space<hbm>>) dst(%arg6 : memref<200x128xi32, #tpu.memory_space<vmem>>)
      tpu.yield
    }) : () -> ()
    %dma_start3A = arith.constant 0 : i32
    %dma_start3A_3 = arith.constant 0 : i32
    %dma_start3A_4 = arith.constant 0 : i32
    %dma_start3A_5 = arith.constant 0 : i32
    %dma_start3A_6 = tpu.memref_slice %arg7[%dma_start3A_3, %dma_start3A_4, %dma_start3A_5] : memref<4x128x128xf32, #tpu.memory_space<vmem>> -> memref<1x128x128xf32, #tpu.memory_space<vmem>>
    %dma_start3A_7 = tpu.memref_squeeze %dma_start3A_6 : memref<1x128x128xf32, #tpu.memory_space<vmem>> -> memref<128x128xf32, #tpu.memory_space<vmem>>
    %dma_start3A_8 = arith.constant 0 : i32
    %dma_start3A_9 = tpu.memref_slice %arg6[%dma_start3A, %dma_start3A_8] : memref<200x128xi32, #tpu.memory_space<vmem>> -> memref<1x128xi32, #tpu.memory_space<vmem>>
    %dma_start3A_10 = tpu.memref_squeeze %dma_start3A_9 : memref<1x128xi32, #tpu.memory_space<vmem>> -> memref<128xi32, #tpu.memory_space<vmem>>
    %dma_start3A_11 = arith.constant 0 : i32
    %dma_start3A_12 = arith.constant 0 : i32
    %dma_start3A_13 = tpu.memref_slice %arg2[%dma_start3A_11, %dma_start3A_12] : memref<1000000x128xf32, #tpu.memory_space<hbm>> -> memref<1000000x128xf32, #tpu.memory_space<hbm>>
    tpu.enqueue_indirect_dma source(%dma_start3A_13 : memref<1000000x128xf32, #tpu.memory_space<hbm>>) target(%dma_start3A_7 : memref<128x128xf32, #tpu.memory_space<vmem>>) offsets(%dma_start3A_10 : memref<128xi32, #tpu.memory_space<vmem>>) semaphore(%arg9 : memref<!tpu.dma_semaphore, #tpu.memory_space<semaphore_mem>>)
    %dma_start3A_14 = arith.constant 1 : i32
    %dma_start3A_15 = arith.constant 1 : i32
    %dma_start3A_16 = arith.constant 0 : i32
    %dma_start3A_17 = arith.constant 0 : i32
    %dma_start3A_18 = tpu.memref_slice %arg7[%dma_start3A_15, %dma_start3A_16, %dma_start3A_17] : memref<4x128x128xf32, #tpu.memory_space<vmem>> -> memref<1x128x128xf32, #tpu.memory_space<vmem>>
    %dma_start3A_19 = tpu.memref_squeeze %dma_start3A_18 : memref<1x128x128xf32, #tpu.memory_space<vmem>> -> memref<128x128xf32, #tpu.memory_space<vmem>>
    %dma_start3A_20 = arith.constant 0 : i32
    %dma_start3A_21 = tpu.memref_slice %arg6[%dma_start3A_14, %dma_start3A_20] : memref<200x128xi32, #tpu.memory_space<vmem>> -> memref<1x128xi32, #tpu.memory_space<vmem>>
    %dma_start3A_22 = tpu.memref_squeeze %dma_start3A_21 : memref<1x128xi32, #tpu.memory_space<vmem>> -> memref<128xi32, #tpu.memory_space<vmem>>
    %dma_start3A_23 = arith.constant 0 : i32
    %dma_start3A_24 = arith.constant 0 : i32
    %dma_start3A_25 = tpu.memref_slice %arg2[%dma_start3A_23, %dma_start3A_24] : memref<1000000x128xf32, #tpu.memory_space<hbm>> -> memref<1000000x128xf32, #tpu.memory_space<hbm>>
    tpu.enqueue_indirect_dma source(%dma_start3A_25 : memref<1000000x128xf32, #tpu.memory_space<hbm>>) target(%dma_start3A_19 : memref<128x128xf32, #tpu.memory_space<vmem>>) offsets(%dma_start3A_22 : memref<128xi32, #tpu.memory_space<vmem>>) semaphore(%arg10 : memref<!tpu.dma_semaphore, #tpu.memory_space<semaphore_mem>>)
    %dma_start3A_26 = arith.constant 2 : i32
    %dma_start3A_27 = arith.constant 2 : i32
    %dma_start3A_28 = arith.constant 0 : i32
    %dma_start3A_29 = arith.constant 0 : i32
    %dma_start3A_30 = tpu.memref_slice %arg7[%dma_start3A_27, %dma_start3A_28, %dma_start3A_29] : memref<4x128x128xf32, #tpu.memory_space<vmem>> -> memref<1x128x128xf32, #tpu.memory_space<vmem>>
    %dma_start3A_31 = tpu.memref_squeeze %dma_start3A_30 : memref<1x128x128xf32, #tpu.memory_space<vmem>> -> memref<128x128xf32, #tpu.memory_space<vmem>>
    %dma_start3A_32 = arith.constant 0 : i32
    %dma_start3A_33 = tpu.memref_slice %arg6[%dma_start3A_26, %dma_start3A_32] : memref<200x128xi32, #tpu.memory_space<vmem>> -> memref<1x128xi32, #tpu.memory_space<vmem>>
    %dma_start3A_34 = tpu.memref_squeeze %dma_start3A_33 : memref<1x128xi32, #tpu.memory_space<vmem>> -> memref<128xi32, #tpu.memory_space<vmem>>
    %dma_start3A_35 = arith.constant 0 : i32
    %dma_start3A_36 = arith.constant 0 : i32
    %dma_start3A_37 = tpu.memref_slice %arg2[%dma_start3A_35, %dma_start3A_36] : memref<1000000x128xf32, #tpu.memory_space<hbm>> -> memref<1000000x128xf32, #tpu.memory_space<hbm>>
    tpu.enqueue_indirect_dma source(%dma_start3A_37 : memref<1000000x128xf32, #tpu.memory_space<hbm>>) target(%dma_start3A_31 : memref<128x128xf32, #tpu.memory_space<vmem>>) offsets(%dma_start3A_34 : memref<128xi32, #tpu.memory_space<vmem>>) semaphore(%arg11 : memref<!tpu.dma_semaphore, #tpu.memory_space<semaphore_mem>>)
    %scan3A = arith.constant 0 : i32
    %scan3A_38 = arith.constant 50 : i32
    %scan3A_39 = arith.addi %scan3A, %scan3A_38 : i32
    %scan3A_40 = arith.constant 1 : i32
    scf.for %scan3A_267 = %scan3A to %scan3A_39 step %scan3A_40  : i32 {
      %mul3A_268 = arith.constant 4 : i32
      %mul3A_269 = arith.muli %scan3A_267, %mul3A_268 : i32
      %add3A_270 = arith.constant 0 : i32
      %add3A_271 = arith.addi %add3A_270, %mul3A_269 : i32
      %add3A_272 = arith.constant 0 : i32
      %add3A_273 = arith.addi %add3A_271, %add3A_272 : i32
      %add3A_274 = arith.constant 4 : i32
      %add3A_275 = arith.addi %add3A_273, %add3A_274 : i32
      %sub3A_276 = arith.constant 1 : i32
      %sub3A_277 = arith.subi %add3A_275, %sub3A_276 : i32
      %lt3A_278 = arith.constant 200 : i32
      %lt3A_279 = arith.cmpi slt, %sub3A_277, %lt3A_278 : i32
      %convert_element_type3A = arith.extui %lt3A_279 : i1 to i32
      %cond3A = arith.constant 0 : i32
      %cond3A_280 = arith.cmpi ne, %convert_element_type3A, %cond3A : i32
      scf.if %cond3A_280 {
        %gt3A = arith.constant 0 : i32
        %gt3A_748 = arith.cmpi sgt, %add3A_273, %gt3A : i32
        %convert_element_type3A_749 = arith.extui %gt3A_748 : i1 to i32
        %cond3A_750 = arith.constant 0 : i32
        %cond3A_751 = arith.cmpi ne, %convert_element_type3A_749, %cond3A_750 : i32
        scf.if %cond3A_751 {
          %sub3A_767 = arith.constant 1 : i32
          %sub3A_768 = arith.subi %add3A_273, %sub3A_767 : i32
          %add3A_769 = arith.addi %mul3A_2, %sub3A_768 : i32
          %jit3A_770 = arith.constant 32 : i32
          %div3A_771 = arith.divsi %add3A_769, %jit3A_770 : i32
          %sign3A_772 = arith.constant 0 : i32
          %sign3A_773 = arith.cmpi sgt, %add3A_769, %sign3A_772 : i32
          %sign3A_774 = arith.extui %sign3A_773 : i1 to i32
          %sign3A_775 = arith.constant 0 : i32
          %sign3A_776 = arith.cmpi slt, %add3A_769, %sign3A_775 : i32
          %sign3A_777 = arith.extui %sign3A_776 : i1 to i32
          %sign3A_778 = arith.subi %sign3A_774, %sign3A_777 : i32
          %sign3A_779 = arith.constant 0 : i32
          %sign3A_780 = arith.cmpi sgt, %jit3A_770, %sign3A_779 : i32
          %sign3A_781 = arith.extui %sign3A_780 : i1 to i32
          %sign3A_782 = arith.constant 0 : i32
          %sign3A_783 = arith.cmpi slt, %jit3A_770, %sign3A_782 : i32
          %sign3A_784 = arith.extui %sign3A_783 : i1 to i32
          %sign3A_785 = arith.subi %sign3A_781, %sign3A_784 : i32
          %ne3A_786 = arith.cmpi ne, %sign3A_778, %sign3A_785 : i32
          %rem3A_787 = arith.remsi %add3A_769, %jit3A_770 : i32
          %ne3A_788 = arith.constant 0 : i32
          %ne3A_789 = arith.cmpi ne, %rem3A_787, %ne3A_788 : i32
          %and3A_790 = arith.andi %ne3A_786, %ne3A_789 : i1
          %sub3A_791 = arith.constant 1 : i32
          %sub3A_792 = arith.subi %div3A_771, %sub3A_791 : i32
          %select_n3A_793 = arith.select %and3A_790, %sub3A_792, %div3A_771 : i32
          %jit3A_794 = arith.constant 32 : i32
          %eq3A_795 = arith.constant 0 : i32
          %eq3A_796 = arith.cmpi eq, %jit3A_794, %eq3A_795 : i32
          %jit3A_797 = arith.constant 1 : i32
          %select_n3A_798 = arith.select %eq3A_796, %jit3A_797, %jit3A_794 : i32
          %rem3A_799 = arith.remsi %add3A_769, %select_n3A_798 : i32
          %ne3A_800 = arith.constant 0 : i32
          %ne3A_801 = arith.cmpi ne, %rem3A_799, %ne3A_800 : i32
          %lt3A_802 = arith.constant 0 : i32
          %lt3A_803 = arith.cmpi slt, %rem3A_799, %lt3A_802 : i32
          %lt3A_804 = arith.constant 0 : i32
          %lt3A_805 = arith.cmpi slt, %select_n3A_798, %lt3A_804 : i32
          %ne3A_806 = arith.xori %lt3A_803, %lt3A_805 : i1
          %and3A_807 = arith.andi %ne3A_806, %ne3A_801 : i1
          %add3A_808 = arith.addi %rem3A_799, %select_n3A_798 : i32
          %select_n3A_809 = arith.select %and3A_807, %add3A_808, %rem3A_799 : i32
          %mul3A_810 = arith.constant 128 : i32
          %mul3A_811 = arith.muli %select_n3A_809, %mul3A_810 : i32
          %dma_wait3A_812 = arith.constant 3 : i32
          %dma_wait3A_813 = arith.constant 0 : i32
          %dma_wait3A_814 = arith.constant 0 : i32
          %dma_wait3A_815 = tpu.memref_slice %arg7[%dma_wait3A_812, %dma_wait3A_813, %dma_wait3A_814] : memref<4x128x128xf32, #tpu.memory_space<vmem>> -> memref<1x128x128xf32, #tpu.memory_space<vmem>>
          %dma_wait3A_816 = tpu.memref_squeeze %dma_wait3A_815 : memref<1x128x128xf32, #tpu.memory_space<vmem>> -> memref<128x128xf32, #tpu.memory_space<vmem>>
          %dma_wait3A_817 = arith.constant 0 : i32
          %dma_wait3A_818 = tpu.memref_slice %arg5[%select_n3A_793, %mul3A_811, %dma_wait3A_817] : memref<200x4096x128xf32, #tpu.memory_space<hbm>> -> memref<1x128x128xf32, #tpu.memory_space<hbm>>
          %dma_wait3A_819 = tpu.memref_squeeze %dma_wait3A_818 : memref<1x128x128xf32, #tpu.memory_space<hbm>> -> memref<128x128xf32, #tpu.memory_space<hbm>>
          %dma_wait3A_820 = arith.constant 0 : i32
          %dma_wait3A_821 = tpu.memref_slice %arg5[%select_n3A_793, %mul3A_811, %dma_wait3A_820] : memref<200x4096x128xf32, #tpu.memory_space<hbm>> -> memref<1x128x128xf32, #tpu.memory_space<hbm>>
          %dma_wait3A_822 = tpu.memref_squeeze %dma_wait3A_821 : memref<1x128x128xf32, #tpu.memory_space<hbm>> -> memref<128x128xf32, #tpu.memory_space<hbm>>
          %dma_wait3A_823 = arith.constant 0 : i32
          %dma_wait3A_824 = arith.constant 0 : i32
          %dma_wait3A_825 = tpu.memref_slice %arg7[%dma_wait3A_812, %dma_wait3A_823, %dma_wait3A_824] : memref<4x128x128xf32, #tpu.memory_space<vmem>> -> memref<1x128x128xf32, #tpu.memory_space<vmem>>
          %dma_wait3A_826 = tpu.memref_squeeze %dma_wait3A_825 : memref<1x128x128xf32, #tpu.memory_space<vmem>> -> memref<128x128xf32, #tpu.memory_space<vmem>>
          tpu.wait_dma2 semaphore(%arg16 : memref<!tpu.dma_semaphore, #tpu.memory_space<semaphore_mem>>) src(%dma_wait3A_826 : memref<128x128xf32, #tpu.memory_space<vmem>>) dst(%dma_wait3A_822 : memref<128x128xf32, #tpu.memory_space<hbm>>)
        } else {
        }
        %add3A_752 = arith.constant 4 : i32
        %add3A_753 = arith.addi %add3A_273, %add3A_752 : i32
        %sub3A_754 = arith.constant 1 : i32
        %sub3A_755 = arith.subi %add3A_753, %sub3A_754 : i32
        %dma_start3A_756 = arith.constant 3 : i32
        %dma_start3A_757 = arith.constant 0 : i32
        %dma_start3A_758 = arith.constant 0 : i32
        %dma_start3A_759 = tpu.memref_slice %arg7[%dma_start3A_756, %dma_start3A_757, %dma_start3A_758] : memref<4x128x128xf32, #tpu.memory_space<vmem>> -> memref<1x128x128xf32, #tpu.memory_space<vmem>>
        %dma_start3A_760 = tpu.memref_squeeze %dma_start3A_759 : memref<1x128x128xf32, #tpu.memory_space<vmem>> -> memref<128x128xf32, #tpu.memory_space<vmem>>
        %dma_start3A_761 = arith.constant 0 : i32
        %dma_start3A_762 = tpu.memref_slice %arg6[%sub3A_755, %dma_start3A_761] : memref<200x128xi32, #tpu.memory_space<vmem>> -> memref<1x128xi32, #tpu.memory_space<vmem>>
        %dma_start3A_763 = tpu.memref_squeeze %dma_start3A_762 : memref<1x128xi32, #tpu.memory_space<vmem>> -> memref<128xi32, #tpu.memory_space<vmem>>
        %dma_start3A_764 = arith.constant 0 : i32
        %dma_start3A_765 = arith.constant 0 : i32
        %dma_start3A_766 = tpu.memref_slice %arg2[%dma_start3A_764, %dma_start3A_765] : memref<1000000x128xf32, #tpu.memory_space<hbm>> -> memref<1000000x128xf32, #tpu.memory_space<hbm>>
        tpu.enqueue_indirect_dma source(%dma_start3A_766 : memref<1000000x128xf32, #tpu.memory_space<hbm>>) target(%dma_start3A_760 : memref<128x128xf32, #tpu.memory_space<vmem>>) offsets(%dma_start3A_763 : memref<128xi32, #tpu.memory_space<vmem>>) semaphore(%arg12 : memref<!tpu.dma_semaphore, #tpu.memory_space<semaphore_mem>>)
      } else {
      }
      %add3A_281 = arith.addi %mul3A_2, %add3A_273 : i32
      %jit3A_282 = arith.constant 32 : i32
      %div3A_283 = arith.divsi %add3A_281, %jit3A_282 : i32
      %sign3A_284 = arith.constant 0 : i32
      %sign3A_285 = arith.cmpi sgt, %add3A_281, %sign3A_284 : i32
      %sign3A_286 = arith.extui %sign3A_285 : i1 to i32
      %sign3A_287 = arith.constant 0 : i32
      %sign3A_288 = arith.cmpi slt, %add3A_281, %sign3A_287 : i32
      %sign3A_289 = arith.extui %sign3A_288 : i1 to i32
      %sign3A_290 = arith.subi %sign3A_286, %sign3A_289 : i32
      %sign3A_291 = arith.constant 0 : i32
      %sign3A_292 = arith.cmpi sgt, %jit3A_282, %sign3A_291 : i32
      %sign3A_293 = arith.extui %sign3A_292 : i1 to i32
      %sign3A_294 = arith.constant 0 : i32
      %sign3A_295 = arith.cmpi slt, %jit3A_282, %sign3A_294 : i32
      %sign3A_296 = arith.extui %sign3A_295 : i1 to i32
      %sign3A_297 = arith.subi %sign3A_293, %sign3A_296 : i32
      %ne3A_298 = arith.cmpi ne, %sign3A_290, %sign3A_297 : i32
      %rem3A_299 = arith.remsi %add3A_281, %jit3A_282 : i32
      %ne3A_300 = arith.constant 0 : i32
      %ne3A_301 = arith.cmpi ne, %rem3A_299, %ne3A_300 : i32
      %and3A_302 = arith.andi %ne3A_298, %ne3A_301 : i1
      %sub3A_303 = arith.constant 1 : i32
      %sub3A_304 = arith.subi %div3A_283, %sub3A_303 : i32
      %select_n3A_305 = arith.select %and3A_302, %sub3A_304, %div3A_283 : i32
      %dma_wait3A_306 = arith.constant 0 : i32
      %dma_wait3A_307 = arith.constant 0 : i32
      %dma_wait3A_308 = arith.constant 0 : i32
      %dma_wait3A_309 = tpu.memref_slice %arg7[%dma_wait3A_306, %dma_wait3A_307, %dma_wait3A_308] : memref<4x128x128xf32, #tpu.memory_space<vmem>> -> memref<1x128x128xf32, #tpu.memory_space<vmem>>
      %dma_wait3A_310 = tpu.memref_squeeze %dma_wait3A_309 : memref<1x128x128xf32, #tpu.memory_space<vmem>> -> memref<128x128xf32, #tpu.memory_space<vmem>>
      %dma_wait3A_311 = arith.constant 0 : i32
      %dma_wait3A_312 = tpu.memref_slice %arg6[%add3A_273, %dma_wait3A_311] : memref<200x128xi32, #tpu.memory_space<vmem>> -> memref<1x128xi32, #tpu.memory_space<vmem>>
      %dma_wait3A_313 = tpu.memref_squeeze %dma_wait3A_312 : memref<1x128xi32, #tpu.memory_space<vmem>> -> memref<128xi32, #tpu.memory_space<vmem>>
      %dma_wait3A_314 = arith.constant 0 : i32
      %dma_wait3A_315 = arith.constant 0 : i32
      %dma_wait3A_316 = tpu.memref_slice %arg2[%dma_wait3A_314, %dma_wait3A_315] : memref<1000000x128xf32, #tpu.memory_space<hbm>> -> memref<1000000x128xf32, #tpu.memory_space<hbm>>
      tpu.wait_indirect_dma semaphore(%arg9 : memref<!tpu.dma_semaphore, #tpu.memory_space<semaphore_mem>>) src(%dma_wait3A_316 : memref<1000000x128xf32, #tpu.memory_space<hbm>>) dst(%dma_wait3A_310 : memref<128x128xf32, #tpu.memory_space<vmem>>)
      %get3A = arith.index_cast %select_n3A_305 : i32 to index
      %get3A_317 = arith.constant 0 : index
      %get3A_318 = tpu.vector_load %arg8[%get3A, %get3A_317] {strides = array<i32>} : memref<200x64xf32, #tpu.memory_space<vmem>>, vector<16xf32>,
      %get3A_319 = arith.index_cast %select_n3A_305 : i32 to index
      %get3A_320 = arith.constant 16 : index
      %get3A_321 = tpu.vector_load %arg8[%get3A_319, %get3A_320] {strides = array<i32>} : memref<200x64xf32, #tpu.memory_space<vmem>>, vector<16xf32>,
      %get3A_322 = arith.index_cast %select_n3A_305 : i32 to index
      %get3A_323 = arith.constant 32 : index
      %get3A_324 = tpu.vector_load %arg8[%get3A_322, %get3A_323] {strides = array<i32>} : memref<200x64xf32, #tpu.memory_space<vmem>>, vector<16xf32>,
      %get3A_325 = arith.index_cast %select_n3A_305 : i32 to index
      %get3A_326 = arith.constant 48 : index
      %get3A_327 = tpu.vector_load %arg8[%get3A_325, %get3A_326] {strides = array<i32>} : memref<200x64xf32, #tpu.memory_space<vmem>>, vector<16xf32>,
      %parallel_loop3A = arith.constant 0 : i32
      %parallel_loop3A_328 = arith.constant 128 : i32
      %parallel_loop3A_329 = arith.constant 1 : i32
      scf.for %parallel_loop3A_748 = %parallel_loop3A to %parallel_loop3A_328 step %parallel_loop3A_329  : i32 {
        %parallel_loop3A_749 = arith.constant 0 : i32
        %parallel_loop3A_750 = arith.index_cast %parallel_loop3A_749 : i32 to index
        %parallel_loop3A_751 = arith.index_cast %parallel_loop3A_748 : i32 to index
        %parallel_loop3A_752 = arith.constant 0 : index
        %parallel_loop3A_753 = tpu.vector_load %arg7[%parallel_loop3A_750, %parallel_loop3A_751, %parallel_loop3A_752] {strides = array<i32>} : memref<4x128x128xf32, #tpu.memory_space<vmem>>, vector<16xf32>,
        %parallel_loop3A_754 = arith.addf %parallel_loop3A_753, %get3A_318 : vector<16xf32>
        %parallel_loop3A_755 = arith.constant 0 : i32
        %parallel_loop3A_756 = arith.index_cast %parallel_loop3A_755 : i32 to index
        %parallel_loop3A_757 = arith.index_cast %parallel_loop3A_748 : i32 to index
        %parallel_loop3A_758 = arith.constant 0 : index
        %parallel_loop3A_759 = tpu.vector_load %arg7[%parallel_loop3A_756, %parallel_loop3A_757, %parallel_loop3A_758] {strides = array<i32>} : memref<4x128x128xf32, #tpu.memory_space<vmem>>, vector<16xf32>,
        tpu.vector_store %arg7[%parallel_loop3A_756, %parallel_loop3A_757, %parallel_loop3A_758], %parallel_loop3A_754 {strides = array<i32>} : memref<4x128x128xf32, #tpu.memory_space<vmem>>, vector<16xf32>,
        %parallel_loop3A_760 = arith.constant 0 : i32
        %parallel_loop3A_761 = arith.index_cast %parallel_loop3A_760 : i32 to index
        %parallel_loop3A_762 = arith.index_cast %parallel_loop3A_748 : i32 to index
        %parallel_loop3A_763 = arith.constant 16 : index
        %parallel_loop3A_764 = tpu.vector_load %arg7[%parallel_loop3A_761, %parallel_loop3A_762, %parallel_loop3A_763] {strides = array<i32>} : memref<4x128x128xf32, #tpu.memory_space<vmem>>, vector<16xf32>,
        %parallel_loop3A_765 = arith.addf %parallel_loop3A_764, %get3A_321 : vector<16xf32>
        %parallel_loop3A_766 = arith.constant 0 : i32
        %parallel_loop3A_767 = arith.index_cast %parallel_loop3A_766 : i32 to index
        %parallel_loop3A_768 = arith.index_cast %parallel_loop3A_748 : i32 to index
        %parallel_loop3A_769 = arith.constant 16 : index
        %parallel_loop3A_770 = tpu.vector_load %arg7[%parallel_loop3A_767, %parallel_loop3A_768, %parallel_loop3A_769] {strides = array<i32>} : memref<4x128x128xf32, #tpu.memory_space<vmem>>, vector<16xf32>,
        tpu.vector_store %arg7[%parallel_loop3A_767, %parallel_loop3A_768, %parallel_loop3A_769], %parallel_loop3A_765 {strides = array<i32>} : memref<4x128x128xf32, #tpu.memory_space<vmem>>, vector<16xf32>,
        %parallel_loop3A_771 = arith.constant 0 : i32
        %parallel_loop3A_772 = arith.index_cast %parallel_loop3A_771 : i32 to index
        %parallel_loop3A_773 = arith.index_cast %parallel_loop3A_748 : i32 to index
        %parallel_loop3A_774 = arith.constant 32 : index
        %parallel_loop3A_775 = tpu.vector_load %arg7[%parallel_loop3A_772, %parallel_loop3A_773, %parallel_loop3A_774] {strides = array<i32>} : memref<4x128x128xf32, #tpu.memory_space<vmem>>, vector<16xf32>,
        %parallel_loop3A_776 = arith.addf %parallel_loop3A_775, %get3A_324 : vector<16xf32>
        %parallel_loop3A_777 = arith.constant 0 : i32
        %parallel_loop3A_778 = arith.index_cast %parallel_loop3A_777 : i32 to index
        %parallel_loop3A_779 = arith.index_cast %parallel_loop3A_748 : i32 to index
        %parallel_loop3A_780 = arith.constant 32 : index
        %parallel_loop3A_781 = tpu.vector_load %arg7[%parallel_loop3A_778, %parallel_loop3A_779, %parallel_loop3A_780] {strides = array<i32>} : memref<4x128x128xf32, #tpu.memory_space<vmem>>, vector<16xf32>,
        tpu.vector_store %arg7[%parallel_loop3A_778, %parallel_loop3A_779, %parallel_loop3A_780], %parallel_loop3A_776 {strides = array<i32>} : memref<4x128x128xf32, #tpu.memory_space<vmem>>, vector<16xf32>,
        %parallel_loop3A_782 = arith.constant 0 : i32
        %parallel_loop3A_783 = arith.index_cast %parallel_loop3A_782 : i32 to index
        %parallel_loop3A_784 = arith.index_cast %parallel_loop3A_748 : i32 to index
        %parallel_loop3A_785 = arith.constant 48 : index
        %parallel_loop3A_786 = tpu.vector_load %arg7[%parallel_loop3A_783, %parallel_loop3A_784, %parallel_loop3A_785] {strides = array<i32>} : memref<4x128x128xf32, #tpu.memory_space<vmem>>, vector<16xf32>,
        %parallel_loop3A_787 = arith.addf %parallel_loop3A_786, %get3A_327 : vector<16xf32>
        %parallel_loop3A_788 = arith.constant 0 : i32
        %parallel_loop3A_789 = arith.index_cast %parallel_loop3A_788 : i32 to index
        %parallel_loop3A_790 = arith.index_cast %parallel_loop3A_748 : i32 to index
        %parallel_loop3A_791 = arith.constant 48 : index
        %parallel_loop3A_792 = tpu.vector_load %arg7[%parallel_loop3A_789, %parallel_loop3A_790, %parallel_loop3A_791] {strides = array<i32>} : memref<4x128x128xf32, #tpu.memory_space<vmem>>, vector<16xf32>,
        tpu.vector_store %arg7[%parallel_loop3A_789, %parallel_loop3A_790, %parallel_loop3A_791], %parallel_loop3A_787 {strides = array<i32>} : memref<4x128x128xf32, #tpu.memory_space<vmem>>, vector<16xf32>,
      } {sc.loop_unroll_factor = 4 : i64, sc.parallel_access}
      %add3A_330 = arith.addi %mul3A_2, %add3A_273 : i32
      %jit3A_331 = arith.constant 32 : i32
      %div3A_332 = arith.divsi %add3A_330, %jit3A_331 : i32
      %sign3A_333 = arith.constant 0 : i32
      %sign3A_334 = arith.cmpi sgt, %add3A_330, %sign3A_333 : i32
      %sign3A_335 = arith.extui %sign3A_334 : i1 to i32
      %sign3A_336 = arith.constant 0 : i32
      %sign3A_337 = arith.cmpi slt, %add3A_330, %sign3A_336 : i32
      %sign3A_338 = arith.extui %sign3A_337 : i1 to i32
      %sign3A_339 = arith.subi %sign3A_335, %sign3A_338 : i32
      %sign3A_340 = arith.constant 0 : i32
      %sign3A_341 = arith.cmpi sgt, %jit3A_331, %sign3A_340 : i32
      %sign3A_342 = arith.extui %sign3A_341 : i1 to i32
      %sign3A_343 = arith.constant 0 : i32
      %sign3A_344 = arith.cmpi slt, %jit3A_331, %sign3A_343 : i32
      %sign3A_345 = arith.extui %sign3A_344 : i1 to i32
      %sign3A_346 = arith.subi %sign3A_342, %sign3A_345 : i32
      %ne3A_347 = arith.cmpi ne, %sign3A_339, %sign3A_346 : i32
      %rem3A_348 = arith.remsi %add3A_330, %jit3A_331 : i32
      %ne3A_349 = arith.constant 0 : i32
      %ne3A_350 = arith.cmpi ne, %rem3A_348, %ne3A_349 : i32
      %and3A_351 = arith.andi %ne3A_347, %ne3A_350 : i1
      %sub3A_352 = arith.constant 1 : i32
      %sub3A_353 = arith.subi %div3A_332, %sub3A_352 : i32
      %select_n3A_354 = arith.select %and3A_351, %sub3A_353, %div3A_332 : i32
      %jit3A_355 = arith.constant 32 : i32
      %eq3A_356 = arith.constant 0 : i32
      %eq3A_357 = arith.cmpi eq, %jit3A_355, %eq3A_356 : i32
      %jit3A_358 = arith.constant 1 : i32
      %select_n3A_359 = arith.select %eq3A_357, %jit3A_358, %jit3A_355 : i32
      %rem3A_360 = arith.remsi %add3A_330, %select_n3A_359 : i32
      %ne3A_361 = arith.constant 0 : i32
      %ne3A_362 = arith.cmpi ne, %rem3A_360, %ne3A_361 : i32
      %lt3A_363 = arith.constant 0 : i32
      %lt3A_364 = arith.cmpi slt, %rem3A_360, %lt3A_363 : i32
      %lt3A_365 = arith.constant 0 : i32
      %lt3A_366 = arith.cmpi slt, %select_n3A_359, %lt3A_365 : i32
      %ne3A_367 = arith.xori %lt3A_364, %lt3A_366 : i1
      %and3A_368 = arith.andi %ne3A_367, %ne3A_362 : i1
      %add3A_369 = arith.addi %rem3A_360, %select_n3A_359 : i32
      %select_n3A_370 = arith.select %and3A_368, %add3A_369, %rem3A_360 : i32
      %mul3A_371 = arith.constant 128 : i32
      %mul3A_372 = arith.muli %select_n3A_370, %mul3A_371 : i32
      %dma_start3A_373 = arith.constant 0 : i32
      %dma_start3A_374 = arith.constant 0 : i32
      %dma_start3A_375 = arith.constant 0 : i32
      %dma_start3A_376 = tpu.memref_slice %arg7[%dma_start3A_373, %dma_start3A_374, %dma_start3A_375] : memref<4x128x128xf32, #tpu.memory_space<vmem>> -> memref<1x128x128xf32, #tpu.memory_space<vmem>>
      %dma_start3A_377 = tpu.memref_squeeze %dma_start3A_376 : memref<1x128x128xf32, #tpu.memory_space<vmem>> -> memref<128x128xf32, #tpu.memory_space<vmem>>
      %dma_start3A_378 = arith.constant 0 : i32
      %dma_start3A_379 = tpu.memref_slice %arg5[%select_n3A_354, %mul3A_372, %dma_start3A_378] : memref<200x4096x128xf32, #tpu.memory_space<hbm>> -> memref<1x128x128xf32, #tpu.memory_space<hbm>>
      %dma_start3A_380 = tpu.memref_squeeze %dma_start3A_379 : memref<1x128x128xf32, #tpu.memory_space<hbm>> -> memref<128x128xf32, #tpu.memory_space<hbm>>
      %dma_start3A_381 = arith.constant 0 : i32
      %dma_start3A_382 = tpu.memref_slice %arg5[%select_n3A_354, %mul3A_372, %dma_start3A_381] : memref<200x4096x128xf32, #tpu.memory_space<hbm>> -> memref<1x128x128xf32, #tpu.memory_space<hbm>>
      %dma_start3A_383 = tpu.memref_squeeze %dma_start3A_382 : memref<1x128x128xf32, #tpu.memory_space<hbm>> -> memref<128x128xf32, #tpu.memory_space<hbm>>
      %dma_start3A_384 = arith.constant 0 : i32
      %dma_start3A_385 = arith.constant 0 : i32
      %dma_start3A_386 = tpu.memref_slice %arg7[%dma_start3A_373, %dma_start3A_384, %dma_start3A_385] : memref<4x128x128xf32, #tpu.memory_space<vmem>> -> memref<1x128x128xf32, #tpu.memory_space<vmem>>
      %dma_start3A_387 = tpu.memref_squeeze %dma_start3A_386 : memref<1x128x128xf32, #tpu.memory_space<vmem>> -> memref<128x128xf32, #tpu.memory_space<vmem>>
      tpu.enqueue_dma source(%dma_start3A_387 : memref<128x128xf32, #tpu.memory_space<vmem>>) target(%dma_start3A_383 : memref<128x128xf32, #tpu.memory_space<hbm>>) target_semaphore(%arg13 : memref<!tpu.dma_semaphore, #tpu.memory_space<semaphore_mem>>)
      %add3A_388 = arith.constant 1 : i32
      %add3A_389 = arith.addi %add3A_271, %add3A_388 : i32
      %add3A_390 = arith.constant 4 : i32
      %add3A_391 = arith.addi %add3A_389, %add3A_390 : i32
      %sub3A_392 = arith.constant 1 : i32
      %sub3A_393 = arith.subi %add3A_391, %sub3A_392 : i32
      %lt3A_394 = arith.constant 200 : i32
      %lt3A_395 = arith.cmpi slt, %sub3A_393, %lt3A_394 : i32
      %convert_element_type3A_396 = arith.extui %lt3A_395 : i1 to i32
      %cond3A_397 = arith.constant 0 : i32
      %cond3A_398 = arith.cmpi ne, %convert_element_type3A_396, %cond3A_397 : i32
      scf.if %cond3A_398 {
        %gt3A = arith.constant 0 : i32
        %gt3A_748 = arith.cmpi sgt, %add3A_389, %gt3A : i32
        %convert_element_type3A_749 = arith.extui %gt3A_748 : i1 to i32
        %cond3A_750 = arith.constant 0 : i32
        %cond3A_751 = arith.cmpi ne, %convert_element_type3A_749, %cond3A_750 : i32
        scf.if %cond3A_751 {
          %sub3A_767 = arith.constant 1 : i32
          %sub3A_768 = arith.subi %add3A_389, %sub3A_767 : i32
          %add3A_769 = arith.addi %mul3A_2, %sub3A_768 : i32
          %jit3A_770 = arith.constant 32 : i32
          %div3A_771 = arith.divsi %add3A_769, %jit3A_770 : i32
          %sign3A_772 = arith.constant 0 : i32
          %sign3A_773 = arith.cmpi sgt, %add3A_769, %sign3A_772 : i32
          %sign3A_774 = arith.extui %sign3A_773 : i1 to i32
          %sign3A_775 = arith.constant 0 : i32
          %sign3A_776 = arith.cmpi slt, %add3A_769, %sign3A_775 : i32
          %sign3A_777 = arith.extui %sign3A_776 : i1 to i32
          %sign3A_778 = arith.subi %sign3A_774, %sign3A_777 : i32
          %sign3A_779 = arith.constant 0 : i32
          %sign3A_780 = arith.cmpi sgt, %jit3A_770, %sign3A_779 : i32
          %sign3A_781 = arith.extui %sign3A_780 : i1 to i32
          %sign3A_782 = arith.constant 0 : i32
          %sign3A_783 = arith.cmpi slt, %jit3A_770, %sign3A_782 : i32
          %sign3A_784 = arith.extui %sign3A_783 : i1 to i32
          %sign3A_785 = arith.subi %sign3A_781, %sign3A_784 : i32
          %ne3A_786 = arith.cmpi ne, %sign3A_778, %sign3A_785 : i32
          %rem3A_787 = arith.remsi %add3A_769, %jit3A_770 : i32
          %ne3A_788 = arith.constant 0 : i32
          %ne3A_789 = arith.cmpi ne, %rem3A_787, %ne3A_788 : i32
          %and3A_790 = arith.andi %ne3A_786, %ne3A_789 : i1
          %sub3A_791 = arith.constant 1 : i32
          %sub3A_792 = arith.subi %div3A_771, %sub3A_791 : i32
          %select_n3A_793 = arith.select %and3A_790, %sub3A_792, %div3A_771 : i32
          %jit3A_794 = arith.constant 32 : i32
          %eq3A_795 = arith.constant 0 : i32
          %eq3A_796 = arith.cmpi eq, %jit3A_794, %eq3A_795 : i32
          %jit3A_797 = arith.constant 1 : i32
          %select_n3A_798 = arith.select %eq3A_796, %jit3A_797, %jit3A_794 : i32
          %rem3A_799 = arith.remsi %add3A_769, %select_n3A_798 : i32
          %ne3A_800 = arith.constant 0 : i32
          %ne3A_801 = arith.cmpi ne, %rem3A_799, %ne3A_800 : i32
          %lt3A_802 = arith.constant 0 : i32
          %lt3A_803 = arith.cmpi slt, %rem3A_799, %lt3A_802 : i32
          %lt3A_804 = arith.constant 0 : i32
          %lt3A_805 = arith.cmpi slt, %select_n3A_798, %lt3A_804 : i32
          %ne3A_806 = arith.xori %lt3A_803, %lt3A_805 : i1
          %and3A_807 = arith.andi %ne3A_806, %ne3A_801 : i1
          %add3A_808 = arith.addi %rem3A_799, %select_n3A_798 : i32
          %select_n3A_809 = arith.select %and3A_807, %add3A_808, %rem3A_799 : i32
          %mul3A_810 = arith.constant 128 : i32
          %mul3A_811 = arith.muli %select_n3A_809, %mul3A_810 : i32
          %dma_wait3A_812 = arith.constant 0 : i32
          %dma_wait3A_813 = arith.constant 0 : i32
          %dma_wait3A_814 = arith.constant 0 : i32
          %dma_wait3A_815 = tpu.memref_slice %arg7[%dma_wait3A_812, %dma_wait3A_813, %dma_wait3A_814] : memref<4x128x128xf32, #tpu.memory_space<vmem>> -> memref<1x128x128xf32, #tpu.memory_space<vmem>>
          %dma_wait3A_816 = tpu.memref_squeeze %dma_wait3A_815 : memref<1x128x128xf32, #tpu.memory_space<vmem>> -> memref<128x128xf32, #tpu.memory_space<vmem>>
          %dma_wait3A_817 = arith.constant 0 : i32
          %dma_wait3A_818 = tpu.memref_slice %arg5[%select_n3A_793, %mul3A_811, %dma_wait3A_817] : memref<200x4096x128xf32, #tpu.memory_space<hbm>> -> memref<1x128x128xf32, #tpu.memory_space<hbm>>
          %dma_wait3A_819 = tpu.memref_squeeze %dma_wait3A_818 : memref<1x128x128xf32, #tpu.memory_space<hbm>> -> memref<128x128xf32, #tpu.memory_space<hbm>>
          %dma_wait3A_820 = arith.constant 0 : i32
          %dma_wait3A_821 = tpu.memref_slice %arg5[%select_n3A_793, %mul3A_811, %dma_wait3A_820] : memref<200x4096x128xf32, #tpu.memory_space<hbm>> -> memref<1x128x128xf32, #tpu.memory_space<hbm>>
          %dma_wait3A_822 = tpu.memref_squeeze %dma_wait3A_821 : memref<1x128x128xf32, #tpu.memory_space<hbm>> -> memref<128x128xf32, #tpu.memory_space<hbm>>
          %dma_wait3A_823 = arith.constant 0 : i32
          %dma_wait3A_824 = arith.constant 0 : i32
          %dma_wait3A_825 = tpu.memref_slice %arg7[%dma_wait3A_812, %dma_wait3A_823, %dma_wait3A_824] : memref<4x128x128xf32, #tpu.memory_space<vmem>> -> memref<1x128x128xf32, #tpu.memory_space<vmem>>
          %dma_wait3A_826 = tpu.memref_squeeze %dma_wait3A_825 : memref<1x128x128xf32, #tpu.memory_space<vmem>> -> memref<128x128xf32, #tpu.memory_space<vmem>>
          tpu.wait_dma2 semaphore(%arg13 : memref<!tpu.dma_semaphore, #tpu.memory_space<semaphore_mem>>) src(%dma_wait3A_826 : memref<128x128xf32, #tpu.memory_space<vmem>>) dst(%dma_wait3A_822 : memref<128x128xf32, #tpu.memory_space<hbm>>)
        } else {
        }
        %add3A_752 = arith.constant 4 : i32
        %add3A_753 = arith.addi %add3A_389, %add3A_752 : i32
        %sub3A_754 = arith.constant 1 : i32
        %sub3A_755 = arith.subi %add3A_753, %sub3A_754 : i32
        %dma_start3A_756 = arith.constant 0 : i32
        %dma_start3A_757 = arith.constant 0 : i32
        %dma_start3A_758 = arith.constant 0 : i32
        %dma_start3A_759 = tpu.memref_slice %arg7[%dma_start3A_756, %dma_start3A_757, %dma_start3A_758] : memref<4x128x128xf32, #tpu.memory_space<vmem>> -> memref<1x128x128xf32, #tpu.memory_space<vmem>>
        %dma_start3A_760 = tpu.memref_squeeze %dma_start3A_759 : memref<1x128x128xf32, #tpu.memory_space<vmem>> -> memref<128x128xf32, #tpu.memory_space<vmem>>
        %dma_start3A_761 = arith.constant 0 : i32
        %dma_start3A_762 = tpu.memref_slice %arg6[%sub3A_755, %dma_start3A_761] : memref<200x128xi32, #tpu.memory_space<vmem>> -> memref<1x128xi32, #tpu.memory_space<vmem>>
        %dma_start3A_763 = tpu.memref_squeeze %dma_start3A_762 : memref<1x128xi32, #tpu.memory_space<vmem>> -> memref<128xi32, #tpu.memory_space<vmem>>
        %dma_start3A_764 = arith.constant 0 : i32
        %dma_start3A_765 = arith.constant 0 : i32
        %dma_start3A_766 = tpu.memref_slice %arg2[%dma_start3A_764, %dma_start3A_765] : memref<1000000x128xf32, #tpu.memory_space<hbm>> -> memref<1000000x128xf32, #tpu.memory_space<hbm>>
        tpu.enqueue_indirect_dma source(%dma_start3A_766 : memref<1000000x128xf32, #tpu.memory_space<hbm>>) target(%dma_start3A_760 : memref<128x128xf32, #tpu.memory_space<vmem>>) offsets(%dma_start3A_763 : memref<128xi32, #tpu.memory_space<vmem>>) semaphore(%arg9 : memref<!tpu.dma_semaphore, #tpu.memory_space<semaphore_mem>>)
      } else {
      }
      %add3A_399 = arith.addi %mul3A_2, %add3A_389 : i32
      %jit3A_400 = arith.constant 32 : i32
      %div3A_401 = arith.divsi %add3A_399, %jit3A_400 : i32
      %sign3A_402 = arith.constant 0 : i32
      %sign3A_403 = arith.cmpi sgt, %add3A_399, %sign3A_402 : i32
      %sign3A_404 = arith.extui %sign3A_403 : i1 to i32
      %sign3A_405 = arith.constant 0 : i32
      %sign3A_406 = arith.cmpi slt, %add3A_399, %sign3A_405 : i32
      %sign3A_407 = arith.extui %sign3A_406 : i1 to i32
      %sign3A_408 = arith.subi %sign3A_404, %sign3A_407 : i32
      %sign3A_409 = arith.constant 0 : i32
      %sign3A_410 = arith.cmpi sgt, %jit3A_400, %sign3A_409 : i32
      %sign3A_411 = arith.extui %sign3A_410 : i1 to i32
      %sign3A_412 = arith.constant 0 : i32
      %sign3A_413 = arith.cmpi slt, %jit3A_400, %sign3A_412 : i32
      %sign3A_414 = arith.extui %sign3A_413 : i1 to i32
      %sign3A_415 = arith.subi %sign3A_411, %sign3A_414 : i32
      %ne3A_416 = arith.cmpi ne, %sign3A_408, %sign3A_415 : i32
      %rem3A_417 = arith.remsi %add3A_399, %jit3A_400 : i32
      %ne3A_418 = arith.constant 0 : i32
      %ne3A_419 = arith.cmpi ne, %rem3A_417, %ne3A_418 : i32
      %and3A_420 = arith.andi %ne3A_416, %ne3A_419 : i1
      %sub3A_421 = arith.constant 1 : i32
      %sub3A_422 = arith.subi %div3A_401, %sub3A_421 : i32
      %select_n3A_423 = arith.select %and3A_420, %sub3A_422, %div3A_401 : i32
      %dma_wait3A_424 = arith.constant 1 : i32
      %dma_wait3A_425 = arith.constant 0 : i32
      %dma_wait3A_426 = arith.constant 0 : i32
      %dma_wait3A_427 = tpu.memref_slice %arg7[%dma_wait3A_424, %dma_wait3A_425, %dma_wait3A_426] : memref<4x128x128xf32, #tpu.memory_space<vmem>> -> memref<1x128x128xf32, #tpu.memory_space<vmem>>
      %dma_wait3A_428 = tpu.memref_squeeze %dma_wait3A_427 : memref<1x128x128xf32, #tpu.memory_space<vmem>> -> memref<128x128xf32, #tpu.memory_space<vmem>>
      %dma_wait3A_429 = arith.constant 0 : i32
      %dma_wait3A_430 = tpu.memref_slice %arg6[%add3A_389, %dma_wait3A_429] : memref<200x128xi32, #tpu.memory_space<vmem>> -> memref<1x128xi32, #tpu.memory_space<vmem>>
      %dma_wait3A_431 = tpu.memref_squeeze %dma_wait3A_430 : memref<1x128xi32, #tpu.memory_space<vmem>> -> memref<128xi32, #tpu.memory_space<vmem>>
      %dma_wait3A_432 = arith.constant 0 : i32
      %dma_wait3A_433 = arith.constant 0 : i32
      %dma_wait3A_434 = tpu.memref_slice %arg2[%dma_wait3A_432, %dma_wait3A_433] : memref<1000000x128xf32, #tpu.memory_space<hbm>> -> memref<1000000x128xf32, #tpu.memory_space<hbm>>
      tpu.wait_indirect_dma semaphore(%arg10 : memref<!tpu.dma_semaphore, #tpu.memory_space<semaphore_mem>>) src(%dma_wait3A_434 : memref<1000000x128xf32, #tpu.memory_space<hbm>>) dst(%dma_wait3A_428 : memref<128x128xf32, #tpu.memory_space<vmem>>)
      %get3A_435 = arith.index_cast %select_n3A_423 : i32 to index
      %get3A_436 = arith.constant 0 : index
      %get3A_437 = tpu.vector_load %arg8[%get3A_435, %get3A_436] {strides = array<i32>} : memref<200x64xf32, #tpu.memory_space<vmem>>, vector<16xf32>,
      %get3A_438 = arith.index_cast %select_n3A_423 : i32 to index
      %get3A_439 = arith.constant 16 : index
      %get3A_440 = tpu.vector_load %arg8[%get3A_438, %get3A_439] {strides = array<i32>} : memref<200x64xf32, #tpu.memory_space<vmem>>, vector<16xf32>,
      %get3A_441 = arith.index_cast %select_n3A_423 : i32 to index
      %get3A_442 = arith.constant 32 : index
      %get3A_443 = tpu.vector_load %arg8[%get3A_441, %get3A_442] {strides = array<i32>} : memref<200x64xf32, #tpu.memory_space<vmem>>, vector<16xf32>,
      %get3A_444 = arith.index_cast %select_n3A_423 : i32 to index
      %get3A_445 = arith.constant 48 : index
      %get3A_446 = tpu.vector_load %arg8[%get3A_444, %get3A_445] {strides = array<i32>} : memref<200x64xf32, #tpu.memory_space<vmem>>, vector<16xf32>,
      %parallel_loop3A_447 = arith.constant 0 : i32
      %parallel_loop3A_448 = arith.constant 128 : i32
      %parallel_loop3A_449 = arith.constant 1 : i32
      scf.for %parallel_loop3A_748 = %parallel_loop3A_447 to %parallel_loop3A_448 step %parallel_loop3A_449  : i32 {
        %parallel_loop3A_749 = arith.constant 1 : i32
        %parallel_loop3A_750 = arith.index_cast %parallel_loop3A_749 : i32 to index
        %parallel_loop3A_751 = arith.index_cast %parallel_loop3A_748 : i32 to index
        %parallel_loop3A_752 = arith.constant 0 : index
        %parallel_loop3A_753 = tpu.vector_load %arg7[%parallel_loop3A_750, %parallel_loop3A_751, %parallel_loop3A_752] {strides = array<i32>} : memref<4x128x128xf32, #tpu.memory_space<vmem>>, vector<16xf32>,
        %parallel_loop3A_754 = arith.addf %parallel_loop3A_753, %get3A_437 : vector<16xf32>
        %parallel_loop3A_755 = arith.constant 1 : i32
        %parallel_loop3A_756 = arith.index_cast %parallel_loop3A_755 : i32 to index
        %parallel_loop3A_757 = arith.index_cast %parallel_loop3A_748 : i32 to index
        %parallel_loop3A_758 = arith.constant 0 : index
        %parallel_loop3A_759 = tpu.vector_load %arg7[%parallel_loop3A_756, %parallel_loop3A_757, %parallel_loop3A_758] {strides = array<i32>} : memref<4x128x128xf32, #tpu.memory_space<vmem>>, vector<16xf32>,
        tpu.vector_store %arg7[%parallel_loop3A_756, %parallel_loop3A_757, %parallel_loop3A_758], %parallel_loop3A_754 {strides = array<i32>} : memref<4x128x128xf32, #tpu.memory_space<vmem>>, vector<16xf32>,
        %parallel_loop3A_760 = arith.constant 1 : i32
        %parallel_loop3A_761 = arith.index_cast %parallel_loop3A_760 : i32 to index
        %parallel_loop3A_762 = arith.index_cast %parallel_loop3A_748 : i32 to index
        %parallel_loop3A_763 = arith.constant 16 : index
        %parallel_loop3A_764 = tpu.vector_load %arg7[%parallel_loop3A_761, %parallel_loop3A_762, %parallel_loop3A_763] {strides = array<i32>} : memref<4x128x128xf32, #tpu.memory_space<vmem>>, vector<16xf32>,
        %parallel_loop3A_765 = arith.addf %parallel_loop3A_764, %get3A_440 : vector<16xf32>
        %parallel_loop3A_766 = arith.constant 1 : i32
        %parallel_loop3A_767 = arith.index_cast %parallel_loop3A_766 : i32 to index
        %parallel_loop3A_768 = arith.index_cast %parallel_loop3A_748 : i32 to index
        %parallel_loop3A_769 = arith.constant 16 : index
        %parallel_loop3A_770 = tpu.vector_load %arg7[%parallel_loop3A_767, %parallel_loop3A_768, %parallel_loop3A_769] {strides = array<i32>} : memref<4x128x128xf32, #tpu.memory_space<vmem>>, vector<16xf32>,
        tpu.vector_store %arg7[%parallel_loop3A_767, %parallel_loop3A_768, %parallel_loop3A_769], %parallel_loop3A_765 {strides = array<i32>} : memref<4x128x128xf32, #tpu.memory_space<vmem>>, vector<16xf32>,
        %parallel_loop3A_771 = arith.constant 1 : i32
        %parallel_loop3A_772 = arith.index_cast %parallel_loop3A_771 : i32 to index
        %parallel_loop3A_773 = arith.index_cast %parallel_loop3A_748 : i32 to index
        %parallel_loop3A_774 = arith.constant 32 : index
        %parallel_loop3A_775 = tpu.vector_load %arg7[%parallel_loop3A_772, %parallel_loop3A_773, %parallel_loop3A_774] {strides = array<i32>} : memref<4x128x128xf32, #tpu.memory_space<vmem>>, vector<16xf32>,
        %parallel_loop3A_776 = arith.addf %parallel_loop3A_775, %get3A_443 : vector<16xf32>
        %parallel_loop3A_777 = arith.constant 1 : i32
        %parallel_loop3A_778 = arith.index_cast %parallel_loop3A_777 : i32 to index
        %parallel_loop3A_779 = arith.index_cast %parallel_loop3A_748 : i32 to index
        %parallel_loop3A_780 = arith.constant 32 : index
        %parallel_loop3A_781 = tpu.vector_load %arg7[%parallel_loop3A_778, %parallel_loop3A_779, %parallel_loop3A_780] {strides = array<i32>} : memref<4x128x128xf32, #tpu.memory_space<vmem>>, vector<16xf32>,
        tpu.vector_store %arg7[%parallel_loop3A_778, %parallel_loop3A_779, %parallel_loop3A_780], %parallel_loop3A_776 {strides = array<i32>} : memref<4x128x128xf32, #tpu.memory_space<vmem>>, vector<16xf32>,
        %parallel_loop3A_782 = arith.constant 1 : i32
        %parallel_loop3A_783 = arith.index_cast %parallel_loop3A_782 : i32 to index
        %parallel_loop3A_784 = arith.index_cast %parallel_loop3A_748 : i32 to index
        %parallel_loop3A_785 = arith.constant 48 : index
        %parallel_loop3A_786 = tpu.vector_load %arg7[%parallel_loop3A_783, %parallel_loop3A_784, %parallel_loop3A_785] {strides = array<i32>} : memref<4x128x128xf32, #tpu.memory_space<vmem>>, vector<16xf32>,
        %parallel_loop3A_787 = arith.addf %parallel_loop3A_786, %get3A_446 : vector<16xf32>
        %parallel_loop3A_788 = arith.constant 1 : i32
        %parallel_loop3A_789 = arith.index_cast %parallel_loop3A_788 : i32 to index
        %parallel_loop3A_790 = arith.index_cast %parallel_loop3A_748 : i32 to index
        %parallel_loop3A_791 = arith.constant 48 : index
        %parallel_loop3A_792 = tpu.vector_load %arg7[%parallel_loop3A_789, %parallel_loop3A_790, %parallel_loop3A_791] {strides = array<i32>} : memref<4x128x128xf32, #tpu.memory_space<vmem>>, vector<16xf32>,
        tpu.vector_store %arg7[%parallel_loop3A_789, %parallel_loop3A_790, %parallel_loop3A_791], %parallel_loop3A_787 {strides = array<i32>} : memref<4x128x128xf32, #tpu.memory_space<vmem>>, vector<16xf32>,
      } {sc.loop_unroll_factor = 4 : i64, sc.parallel_access}
      %add3A_450 = arith.addi %mul3A_2, %add3A_389 : i32
      %jit3A_451 = arith.constant 32 : i32
      %div3A_452 = arith.divsi %add3A_450, %jit3A_451 : i32
      %sign3A_453 = arith.constant 0 : i32
      %sign3A_454 = arith.cmpi sgt, %add3A_450, %sign3A_453 : i32
      %sign3A_455 = arith.extui %sign3A_454 : i1 to i32
      %sign3A_456 = arith.constant 0 : i32
      %sign3A_457 = arith.cmpi slt, %add3A_450, %sign3A_456 : i32
      %sign3A_458 = arith.extui %sign3A_457 : i1 to i32
      %sign3A_459 = arith.subi %sign3A_455, %sign3A_458 : i32
      %sign3A_460 = arith.constant 0 : i32
      %sign3A_461 = arith.cmpi sgt, %jit3A_451, %sign3A_460 : i32
      %sign3A_462 = arith.extui %sign3A_461 : i1 to i32
      %sign3A_463 = arith.constant 0 : i32
      %sign3A_464 = arith.cmpi slt, %jit3A_451, %sign3A_463 : i32
      %sign3A_465 = arith.extui %sign3A_464 : i1 to i32
      %sign3A_466 = arith.subi %sign3A_462, %sign3A_465 : i32
      %ne3A_467 = arith.cmpi ne, %sign3A_459, %sign3A_466 : i32
      %rem3A_468 = arith.remsi %add3A_450, %jit3A_451 : i32
      %ne3A_469 = arith.constant 0 : i32
      %ne3A_470 = arith.cmpi ne, %rem3A_468, %ne3A_469 : i32
      %and3A_471 = arith.andi %ne3A_467, %ne3A_470 : i1
      %sub3A_472 = arith.constant 1 : i32
      %sub3A_473 = arith.subi %div3A_452, %sub3A_472 : i32
      %select_n3A_474 = arith.select %and3A_471, %sub3A_473, %div3A_452 : i32
      %jit3A_475 = arith.constant 32 : i32
      %eq3A_476 = arith.constant 0 : i32
      %eq3A_477 = arith.cmpi eq, %jit3A_475, %eq3A_476 : i32
      %jit3A_478 = arith.constant 1 : i32
      %select_n3A_479 = arith.select %eq3A_477, %jit3A_478, %jit3A_475 : i32
      %rem3A_480 = arith.remsi %add3A_450, %select_n3A_479 : i32
      %ne3A_481 = arith.constant 0 : i32
      %ne3A_482 = arith.cmpi ne, %rem3A_480, %ne3A_481 : i32
      %lt3A_483 = arith.constant 0 : i32
      %lt3A_484 = arith.cmpi slt, %rem3A_480, %lt3A_483 : i32
      %lt3A_485 = arith.constant 0 : i32
      %lt3A_486 = arith.cmpi slt, %select_n3A_479, %lt3A_485 : i32
      %ne3A_487 = arith.xori %lt3A_484, %lt3A_486 : i1
      %and3A_488 = arith.andi %ne3A_487, %ne3A_482 : i1
      %add3A_489 = arith.addi %rem3A_480, %select_n3A_479 : i32
      %select_n3A_490 = arith.select %and3A_488, %add3A_489, %rem3A_480 : i32
      %mul3A_491 = arith.constant 128 : i32
      %mul3A_492 = arith.muli %select_n3A_490, %mul3A_491 : i32
      %dma_start3A_493 = arith.constant 1 : i32
      %dma_start3A_494 = arith.constant 0 : i32
      %dma_start3A_495 = arith.constant 0 : i32
      %dma_start3A_496 = tpu.memref_slice %arg7[%dma_start3A_493, %dma_start3A_494, %dma_start3A_495] : memref<4x128x128xf32, #tpu.memory_space<vmem>> -> memref<1x128x128xf32, #tpu.memory_space<vmem>>
      %dma_start3A_497 = tpu.memref_squeeze %dma_start3A_496 : memref<1x128x128xf32, #tpu.memory_space<vmem>> -> memref<128x128xf32, #tpu.memory_space<vmem>>
      %dma_start3A_498 = arith.constant 0 : i32
      %dma_start3A_499 = tpu.memref_slice %arg5[%select_n3A_474, %mul3A_492, %dma_start3A_498] : memref<200x4096x128xf32, #tpu.memory_space<hbm>> -> memref<1x128x128xf32, #tpu.memory_space<hbm>>
      %dma_start3A_500 = tpu.memref_squeeze %dma_start3A_499 : memref<1x128x128xf32, #tpu.memory_space<hbm>> -> memref<128x128xf32, #tpu.memory_space<hbm>>
      %dma_start3A_501 = arith.constant 0 : i32
      %dma_start3A_502 = tpu.memref_slice %arg5[%select_n3A_474, %mul3A_492, %dma_start3A_501] : memref<200x4096x128xf32, #tpu.memory_space<hbm>> -> memref<1x128x128xf32, #tpu.memory_space<hbm>>
      %dma_start3A_503 = tpu.memref_squeeze %dma_start3A_502 : memref<1x128x128xf32, #tpu.memory_space<hbm>> -> memref<128x128xf32, #tpu.memory_space<hbm>>
      %dma_start3A_504 = arith.constant 0 : i32
      %dma_start3A_505 = arith.constant 0 : i32
      %dma_start3A_506 = tpu.memref_slice %arg7[%dma_start3A_493, %dma_start3A_504, %dma_start3A_505] : memref<4x128x128xf32, #tpu.memory_space<vmem>> -> memref<1x128x128xf32, #tpu.memory_space<vmem>>
      %dma_start3A_507 = tpu.memref_squeeze %dma_start3A_506 : memref<1x128x128xf32, #tpu.memory_space<vmem>> -> memref<128x128xf32, #tpu.memory_space<vmem>>
      tpu.enqueue_dma source(%dma_start3A_507 : memref<128x128xf32, #tpu.memory_space<vmem>>) target(%dma_start3A_503 : memref<128x128xf32, #tpu.memory_space<hbm>>) target_semaphore(%arg14 : memref<!tpu.dma_semaphore, #tpu.memory_space<semaphore_mem>>)
      %add3A_508 = arith.constant 2 : i32
      %add3A_509 = arith.addi %add3A_271, %add3A_508 : i32
      %add3A_510 = arith.constant 4 : i32
      %add3A_511 = arith.addi %add3A_509, %add3A_510 : i32
      %sub3A_512 = arith.constant 1 : i32
      %sub3A_513 = arith.subi %add3A_511, %sub3A_512 : i32
      %lt3A_514 = arith.constant 200 : i32
      %lt3A_515 = arith.cmpi slt, %sub3A_513, %lt3A_514 : i32
      %convert_element_type3A_516 = arith.extui %lt3A_515 : i1 to i32
      %cond3A_517 = arith.constant 0 : i32
      %cond3A_518 = arith.cmpi ne, %convert_element_type3A_516, %cond3A_517 : i32
      scf.if %cond3A_518 {
        %gt3A = arith.constant 0 : i32
        %gt3A_748 = arith.cmpi sgt, %add3A_509, %gt3A : i32
        %convert_element_type3A_749 = arith.extui %gt3A_748 : i1 to i32
        %cond3A_750 = arith.constant 0 : i32
        %cond3A_751 = arith.cmpi ne, %convert_element_type3A_749, %cond3A_750 : i32
        scf.if %cond3A_751 {
          %sub3A_767 = arith.constant 1 : i32
          %sub3A_768 = arith.subi %add3A_509, %sub3A_767 : i32
          %add3A_769 = arith.addi %mul3A_2, %sub3A_768 : i32
          %jit3A_770 = arith.constant 32 : i32
          %div3A_771 = arith.divsi %add3A_769, %jit3A_770 : i32
          %sign3A_772 = arith.constant 0 : i32
          %sign3A_773 = arith.cmpi sgt, %add3A_769, %sign3A_772 : i32
          %sign3A_774 = arith.extui %sign3A_773 : i1 to i32
          %sign3A_775 = arith.constant 0 : i32
          %sign3A_776 = arith.cmpi slt, %add3A_769, %sign3A_775 : i32
          %sign3A_777 = arith.extui %sign3A_776 : i1 to i32
          %sign3A_778 = arith.subi %sign3A_774, %sign3A_777 : i32
          %sign3A_779 = arith.constant 0 : i32
          %sign3A_780 = arith.cmpi sgt, %jit3A_770, %sign3A_779 : i32
          %sign3A_781 = arith.extui %sign3A_780 : i1 to i32
          %sign3A_782 = arith.constant 0 : i32
          %sign3A_783 = arith.cmpi slt, %jit3A_770, %sign3A_782 : i32
          %sign3A_784 = arith.extui %sign3A_783 : i1 to i32
          %sign3A_785 = arith.subi %sign3A_781, %sign3A_784 : i32
          %ne3A_786 = arith.cmpi ne, %sign3A_778, %sign3A_785 : i32
          %rem3A_787 = arith.remsi %add3A_769, %jit3A_770 : i32
          %ne3A_788 = arith.constant 0 : i32
          %ne3A_789 = arith.cmpi ne, %rem3A_787, %ne3A_788 : i32
          %and3A_790 = arith.andi %ne3A_786, %ne3A_789 : i1
          %sub3A_791 = arith.constant 1 : i32
          %sub3A_792 = arith.subi %div3A_771, %sub3A_791 : i32
          %select_n3A_793 = arith.select %and3A_790, %sub3A_792, %div3A_771 : i32
          %jit3A_794 = arith.constant 32 : i32
          %eq3A_795 = arith.constant 0 : i32
          %eq3A_796 = arith.cmpi eq, %jit3A_794, %eq3A_795 : i32
          %jit3A_797 = arith.constant 1 : i32
          %select_n3A_798 = arith.select %eq3A_796, %jit3A_797, %jit3A_794 : i32
          %rem3A_799 = arith.remsi %add3A_769, %select_n3A_798 : i32
          %ne3A_800 = arith.constant 0 : i32
          %ne3A_801 = arith.cmpi ne, %rem3A_799, %ne3A_800 : i32
          %lt3A_802 = arith.constant 0 : i32
          %lt3A_803 = arith.cmpi slt, %rem3A_799, %lt3A_802 : i32
          %lt3A_804 = arith.constant 0 : i32
          %lt3A_805 = arith.cmpi slt, %select_n3A_798, %lt3A_804 : i32
          %ne3A_806 = arith.xori %lt3A_803, %lt3A_805 : i1
          %and3A_807 = arith.andi %ne3A_806, %ne3A_801 : i1
          %add3A_808 = arith.addi %rem3A_799, %select_n3A_798 : i32
          %select_n3A_809 = arith.select %and3A_807, %add3A_808, %rem3A_799 : i32
          %mul3A_810 = arith.constant 128 : i32
          %mul3A_811 = arith.muli %select_n3A_809, %mul3A_810 : i32
          %dma_wait3A_812 = arith.constant 1 : i32
          %dma_wait3A_813 = arith.constant 0 : i32
          %dma_wait3A_814 = arith.constant 0 : i32
          %dma_wait3A_815 = tpu.memref_slice %arg7[%dma_wait3A_812, %dma_wait3A_813, %dma_wait3A_814] : memref<4x128x128xf32, #tpu.memory_space<vmem>> -> memref<1x128x128xf32, #tpu.memory_space<vmem>>
          %dma_wait3A_816 = tpu.memref_squeeze %dma_wait3A_815 : memref<1x128x128xf32, #tpu.memory_space<vmem>> -> memref<128x128xf32, #tpu.memory_space<vmem>>
          %dma_wait3A_817 = arith.constant 0 : i32
          %dma_wait3A_818 = tpu.memref_slice %arg5[%select_n3A_793, %mul3A_811, %dma_wait3A_817] : memref<200x4096x128xf32, #tpu.memory_space<hbm>> -> memref<1x128x128xf32, #tpu.memory_space<hbm>>
          %dma_wait3A_819 = tpu.memref_squeeze %dma_wait3A_818 : memref<1x128x128xf32, #tpu.memory_space<hbm>> -> memref<128x128xf32, #tpu.memory_space<hbm>>
          %dma_wait3A_820 = arith.constant 0 : i32
          %dma_wait3A_821 = tpu.memref_slice %arg5[%select_n3A_793, %mul3A_811, %dma_wait3A_820] : memref<200x4096x128xf32, #tpu.memory_space<hbm>> -> memref<1x128x128xf32, #tpu.memory_space<hbm>>
          %dma_wait3A_822 = tpu.memref_squeeze %dma_wait3A_821 : memref<1x128x128xf32, #tpu.memory_space<hbm>> -> memref<128x128xf32, #tpu.memory_space<hbm>>
          %dma_wait3A_823 = arith.constant 0 : i32
          %dma_wait3A_824 = arith.constant 0 : i32
          %dma_wait3A_825 = tpu.memref_slice %arg7[%dma_wait3A_812, %dma_wait3A_823, %dma_wait3A_824] : memref<4x128x128xf32, #tpu.memory_space<vmem>> -> memref<1x128x128xf32, #tpu.memory_space<vmem>>
          %dma_wait3A_826 = tpu.memref_squeeze %dma_wait3A_825 : memref<1x128x128xf32, #tpu.memory_space<vmem>> -> memref<128x128xf32, #tpu.memory_space<vmem>>
          tpu.wait_dma2 semaphore(%arg14 : memref<!tpu.dma_semaphore, #tpu.memory_space<semaphore_mem>>) src(%dma_wait3A_826 : memref<128x128xf32, #tpu.memory_space<vmem>>) dst(%dma_wait3A_822 : memref<128x128xf32, #tpu.memory_space<hbm>>)
        } else {
        }
        %add3A_752 = arith.constant 4 : i32
        %add3A_753 = arith.addi %add3A_509, %add3A_752 : i32
        %sub3A_754 = arith.constant 1 : i32
        %sub3A_755 = arith.subi %add3A_753, %sub3A_754 : i32
        %dma_start3A_756 = arith.constant 1 : i32
        %dma_start3A_757 = arith.constant 0 : i32
        %dma_start3A_758 = arith.constant 0 : i32
        %dma_start3A_759 = tpu.memref_slice %arg7[%dma_start3A_756, %dma_start3A_757, %dma_start3A_758] : memref<4x128x128xf32, #tpu.memory_space<vmem>> -> memref<1x128x128xf32, #tpu.memory_space<vmem>>
        %dma_start3A_760 = tpu.memref_squeeze %dma_start3A_759 : memref<1x128x128xf32, #tpu.memory_space<vmem>> -> memref<128x128xf32, #tpu.memory_space<vmem>>
        %dma_start3A_761 = arith.constant 0 : i32
        %dma_start3A_762 = tpu.memref_slice %arg6[%sub3A_755, %dma_start3A_761] : memref<200x128xi32, #tpu.memory_space<vmem>> -> memref<1x128xi32, #tpu.memory_space<vmem>>
        %dma_start3A_763 = tpu.memref_squeeze %dma_start3A_762 : memref<1x128xi32, #tpu.memory_space<vmem>> -> memref<128xi32, #tpu.memory_space<vmem>>
        %dma_start3A_764 = arith.constant 0 : i32
        %dma_start3A_765 = arith.constant 0 : i32
        %dma_start3A_766 = tpu.memref_slice %arg2[%dma_start3A_764, %dma_start3A_765] : memref<1000000x128xf32, #tpu.memory_space<hbm>> -> memref<1000000x128xf32, #tpu.memory_space<hbm>>
        tpu.enqueue_indirect_dma source(%dma_start3A_766 : memref<1000000x128xf32, #tpu.memory_space<hbm>>) target(%dma_start3A_760 : memref<128x128xf32, #tpu.memory_space<vmem>>) offsets(%dma_start3A_763 : memref<128xi32, #tpu.memory_space<vmem>>) semaphore(%arg10 : memref<!tpu.dma_semaphore, #tpu.memory_space<semaphore_mem>>)
      } else {
      }
      %add3A_519 = arith.addi %mul3A_2, %add3A_509 : i32
      %jit3A_520 = arith.constant 32 : i32
      %div3A_521 = arith.divsi %add3A_519, %jit3A_520 : i32
      %sign3A_522 = arith.constant 0 : i32
      %sign3A_523 = arith.cmpi sgt, %add3A_519, %sign3A_522 : i32
      %sign3A_524 = arith.extui %sign3A_523 : i1 to i32
      %sign3A_525 = arith.constant 0 : i32
      %sign3A_526 = arith.cmpi slt, %add3A_519, %sign3A_525 : i32
      %sign3A_527 = arith.extui %sign3A_526 : i1 to i32
      %sign3A_528 = arith.subi %sign3A_524, %sign3A_527 : i32
      %sign3A_529 = arith.constant 0 : i32
      %sign3A_530 = arith.cmpi sgt, %jit3A_520, %sign3A_529 : i32
      %sign3A_531 = arith.extui %sign3A_530 : i1 to i32
      %sign3A_532 = arith.constant 0 : i32
      %sign3A_533 = arith.cmpi slt, %jit3A_520, %sign3A_532 : i32
      %sign3A_534 = arith.extui %sign3A_533 : i1 to i32
      %sign3A_535 = arith.subi %sign3A_531, %sign3A_534 : i32
      %ne3A_536 = arith.cmpi ne, %sign3A_528, %sign3A_535 : i32
      %rem3A_537 = arith.remsi %add3A_519, %jit3A_520 : i32
      %ne3A_538 = arith.constant 0 : i32
      %ne3A_539 = arith.cmpi ne, %rem3A_537, %ne3A_538 : i32
      %and3A_540 = arith.andi %ne3A_536, %ne3A_539 : i1
      %sub3A_541 = arith.constant 1 : i32
      %sub3A_542 = arith.subi %div3A_521, %sub3A_541 : i32
      %select_n3A_543 = arith.select %and3A_540, %sub3A_542, %div3A_521 : i32
      %dma_wait3A_544 = arith.constant 2 : i32
      %dma_wait3A_545 = arith.constant 0 : i32
      %dma_wait3A_546 = arith.constant 0 : i32
      %dma_wait3A_547 = tpu.memref_slice %arg7[%dma_wait3A_544, %dma_wait3A_545, %dma_wait3A_546] : memref<4x128x128xf32, #tpu.memory_space<vmem>> -> memref<1x128x128xf32, #tpu.memory_space<vmem>>
      %dma_wait3A_548 = tpu.memref_squeeze %dma_wait3A_547 : memref<1x128x128xf32, #tpu.memory_space<vmem>> -> memref<128x128xf32, #tpu.memory_space<vmem>>
      %dma_wait3A_549 = arith.constant 0 : i32
      %dma_wait3A_550 = tpu.memref_slice %arg6[%add3A_509, %dma_wait3A_549] : memref<200x128xi32, #tpu.memory_space<vmem>> -> memref<1x128xi32, #tpu.memory_space<vmem>>
      %dma_wait3A_551 = tpu.memref_squeeze %dma_wait3A_550 : memref<1x128xi32, #tpu.memory_space<vmem>> -> memref<128xi32, #tpu.memory_space<vmem>>
      %dma_wait3A_552 = arith.constant 0 : i32
      %dma_wait3A_553 = arith.constant 0 : i32
      %dma_wait3A_554 = tpu.memref_slice %arg2[%dma_wait3A_552, %dma_wait3A_553] : memref<1000000x128xf32, #tpu.memory_space<hbm>> -> memref<1000000x128xf32, #tpu.memory_space<hbm>>
      tpu.wait_indirect_dma semaphore(%arg11 : memref<!tpu.dma_semaphore, #tpu.memory_space<semaphore_mem>>) src(%dma_wait3A_554 : memref<1000000x128xf32, #tpu.memory_space<hbm>>) dst(%dma_wait3A_548 : memref<128x128xf32, #tpu.memory_space<vmem>>)
      %get3A_555 = arith.index_cast %select_n3A_543 : i32 to index
      %get3A_556 = arith.constant 0 : index
      %get3A_557 = tpu.vector_load %arg8[%get3A_555, %get3A_556] {strides = array<i32>} : memref<200x64xf32, #tpu.memory_space<vmem>>, vector<16xf32>,
      %get3A_558 = arith.index_cast %select_n3A_543 : i32 to index
      %get3A_559 = arith.constant 16 : index
      %get3A_560 = tpu.vector_load %arg8[%get3A_558, %get3A_559] {strides = array<i32>} : memref<200x64xf32, #tpu.memory_space<vmem>>, vector<16xf32>,
      %get3A_561 = arith.index_cast %select_n3A_543 : i32 to index
      %get3A_562 = arith.constant 32 : index
      %get3A_563 = tpu.vector_load %arg8[%get3A_561, %get3A_562] {strides = array<i32>} : memref<200x64xf32, #tpu.memory_space<vmem>>, vector<16xf32>,
      %get3A_564 = arith.index_cast %select_n3A_543 : i32 to index
      %get3A_565 = arith.constant 48 : index
      %get3A_566 = tpu.vector_load %arg8[%get3A_564, %get3A_565] {strides = array<i32>} : memref<200x64xf32, #tpu.memory_space<vmem>>, vector<16xf32>,
      %parallel_loop3A_567 = arith.constant 0 : i32
      %parallel_loop3A_568 = arith.constant 128 : i32
      %parallel_loop3A_569 = arith.constant 1 : i32
      scf.for %parallel_loop3A_748 = %parallel_loop3A_567 to %parallel_loop3A_568 step %parallel_loop3A_569  : i32 {
        %parallel_loop3A_749 = arith.constant 2 : i32
        %parallel_loop3A_750 = arith.index_cast %parallel_loop3A_749 : i32 to index
        %parallel_loop3A_751 = arith.index_cast %parallel_loop3A_748 : i32 to index
        %parallel_loop3A_752 = arith.constant 0 : index
        %parallel_loop3A_753 = tpu.vector_load %arg7[%parallel_loop3A_750, %parallel_loop3A_751, %parallel_loop3A_752] {strides = array<i32>} : memref<4x128x128xf32, #tpu.memory_space<vmem>>, vector<16xf32>,
        %parallel_loop3A_754 = arith.addf %parallel_loop3A_753, %get3A_557 : vector<16xf32>
        %parallel_loop3A_755 = arith.constant 2 : i32
        %parallel_loop3A_756 = arith.index_cast %parallel_loop3A_755 : i32 to index
        %parallel_loop3A_757 = arith.index_cast %parallel_loop3A_748 : i32 to index
        %parallel_loop3A_758 = arith.constant 0 : index
        %parallel_loop3A_759 = tpu.vector_load %arg7[%parallel_loop3A_756, %parallel_loop3A_757, %parallel_loop3A_758] {strides = array<i32>} : memref<4x128x128xf32, #tpu.memory_space<vmem>>, vector<16xf32>,
        tpu.vector_store %arg7[%parallel_loop3A_756, %parallel_loop3A_757, %parallel_loop3A_758], %parallel_loop3A_754 {strides = array<i32>} : memref<4x128x128xf32, #tpu.memory_space<vmem>>, vector<16xf32>,
        %parallel_loop3A_760 = arith.constant 2 : i32
        %parallel_loop3A_761 = arith.index_cast %parallel_loop3A_760 : i32 to index
        %parallel_loop3A_762 = arith.index_cast %parallel_loop3A_748 : i32 to index
        %parallel_loop3A_763 = arith.constant 16 : index
        %parallel_loop3A_764 = tpu.vector_load %arg7[%parallel_loop3A_761, %parallel_loop3A_762, %parallel_loop3A_763] {strides = array<i32>} : memref<4x128x128xf32, #tpu.memory_space<vmem>>, vector<16xf32>,
        %parallel_loop3A_765 = arith.addf %parallel_loop3A_764, %get3A_560 : vector<16xf32>
        %parallel_loop3A_766 = arith.constant 2 : i32
        %parallel_loop3A_767 = arith.index_cast %parallel_loop3A_766 : i32 to index
        %parallel_loop3A_768 = arith.index_cast %parallel_loop3A_748 : i32 to index
        %parallel_loop3A_769 = arith.constant 16 : index
        %parallel_loop3A_770 = tpu.vector_load %arg7[%parallel_loop3A_767, %parallel_loop3A_768, %parallel_loop3A_769] {strides = array<i32>} : memref<4x128x128xf32, #tpu.memory_space<vmem>>, vector<16xf32>,
        tpu.vector_store %arg7[%parallel_loop3A_767, %parallel_loop3A_768, %parallel_loop3A_769], %parallel_loop3A_765 {strides = array<i32>} : memref<4x128x128xf32, #tpu.memory_space<vmem>>, vector<16xf32>,
        %parallel_loop3A_771 = arith.constant 2 : i32
        %parallel_loop3A_772 = arith.index_cast %parallel_loop3A_771 : i32 to index
        %parallel_loop3A_773 = arith.index_cast %parallel_loop3A_748 : i32 to index
        %parallel_loop3A_774 = arith.constant 32 : index
        %parallel_loop3A_775 = tpu.vector_load %arg7[%parallel_loop3A_772, %parallel_loop3A_773, %parallel_loop3A_774] {strides = array<i32>} : memref<4x128x128xf32, #tpu.memory_space<vmem>>, vector<16xf32>,
        %parallel_loop3A_776 = arith.addf %parallel_loop3A_775, %get3A_563 : vector<16xf32>
        %parallel_loop3A_777 = arith.constant 2 : i32
        %parallel_loop3A_778 = arith.index_cast %parallel_loop3A_777 : i32 to index
        %parallel_loop3A_779 = arith.index_cast %parallel_loop3A_748 : i32 to index
        %parallel_loop3A_780 = arith.constant 32 : index
        %parallel_loop3A_781 = tpu.vector_load %arg7[%parallel_loop3A_778, %parallel_loop3A_779, %parallel_loop3A_780] {strides = array<i32>} : memref<4x128x128xf32, #tpu.memory_space<vmem>>, vector<16xf32>,
        tpu.vector_store %arg7[%parallel_loop3A_778, %parallel_loop3A_779, %parallel_loop3A_780], %parallel_loop3A_776 {strides = array<i32>} : memref<4x128x128xf32, #tpu.memory_space<vmem>>, vector<16xf32>,
        %parallel_loop3A_782 = arith.constant 2 : i32
        %parallel_loop3A_783 = arith.index_cast %parallel_loop3A_782 : i32 to index
        %parallel_loop3A_784 = arith.index_cast %parallel_loop3A_748 : i32 to index
        %parallel_loop3A_785 = arith.constant 48 : index
        %parallel_loop3A_786 = tpu.vector_load %arg7[%parallel_loop3A_783, %parallel_loop3A_784, %parallel_loop3A_785] {strides = array<i32>} : memref<4x128x128xf32, #tpu.memory_space<vmem>>, vector<16xf32>,
        %parallel_loop3A_787 = arith.addf %parallel_loop3A_786, %get3A_566 : vector<16xf32>
        %parallel_loop3A_788 = arith.constant 2 : i32
        %parallel_loop3A_789 = arith.index_cast %parallel_loop3A_788 : i32 to index
        %parallel_loop3A_790 = arith.index_cast %parallel_loop3A_748 : i32 to index
        %parallel_loop3A_791 = arith.constant 48 : index
        %parallel_loop3A_792 = tpu.vector_load %arg7[%parallel_loop3A_789, %parallel_loop3A_790, %parallel_loop3A_791] {strides = array<i32>} : memref<4x128x128xf32, #tpu.memory_space<vmem>>, vector<16xf32>,
        tpu.vector_store %arg7[%parallel_loop3A_789, %parallel_loop3A_790, %parallel_loop3A_791], %parallel_loop3A_787 {strides = array<i32>} : memref<4x128x128xf32, #tpu.memory_space<vmem>>, vector<16xf32>,
      } {sc.loop_unroll_factor = 4 : i64, sc.parallel_access}
      %add3A_570 = arith.addi %mul3A_2, %add3A_509 : i32
      %jit3A_571 = arith.constant 32 : i32
      %div3A_572 = arith.divsi %add3A_570, %jit3A_571 : i32
      %sign3A_573 = arith.constant 0 : i32
      %sign3A_574 = arith.cmpi sgt, %add3A_570, %sign3A_573 : i32
      %sign3A_575 = arith.extui %sign3A_574 : i1 to i32
      %sign3A_576 = arith.constant 0 : i32
      %sign3A_577 = arith.cmpi slt, %add3A_570, %sign3A_576 : i32
      %sign3A_578 = arith.extui %sign3A_577 : i1 to i32
      %sign3A_579 = arith.subi %sign3A_575, %sign3A_578 : i32
      %sign3A_580 = arith.constant 0 : i32
      %sign3A_581 = arith.cmpi sgt, %jit3A_571, %sign3A_580 : i32
      %sign3A_582 = arith.extui %sign3A_581 : i1 to i32
      %sign3A_583 = arith.constant 0 : i32
      %sign3A_584 = arith.cmpi slt, %jit3A_571, %sign3A_583 : i32
      %sign3A_585 = arith.extui %sign3A_584 : i1 to i32
      %sign3A_586 = arith.subi %sign3A_582, %sign3A_585 : i32
      %ne3A_587 = arith.cmpi ne, %sign3A_579, %sign3A_586 : i32
      %rem3A_588 = arith.remsi %add3A_570, %jit3A_571 : i32
      %ne3A_589 = arith.constant 0 : i32
      %ne3A_590 = arith.cmpi ne, %rem3A_588, %ne3A_589 : i32
      %and3A_591 = arith.andi %ne3A_587, %ne3A_590 : i1
      %sub3A_592 = arith.constant 1 : i32
      %sub3A_593 = arith.subi %div3A_572, %sub3A_592 : i32
      %select_n3A_594 = arith.select %and3A_591, %sub3A_593, %div3A_572 : i32
      %jit3A_595 = arith.constant 32 : i32
      %eq3A_596 = arith.constant 0 : i32
      %eq3A_597 = arith.cmpi eq, %jit3A_595, %eq3A_596 : i32
      %jit3A_598 = arith.constant 1 : i32
      %select_n3A_599 = arith.select %eq3A_597, %jit3A_598, %jit3A_595 : i32
      %rem3A_600 = arith.remsi %add3A_570, %select_n3A_599 : i32
      %ne3A_601 = arith.constant 0 : i32
      %ne3A_602 = arith.cmpi ne, %rem3A_600, %ne3A_601 : i32
      %lt3A_603 = arith.constant 0 : i32
      %lt3A_604 = arith.cmpi slt, %rem3A_600, %lt3A_603 : i32
      %lt3A_605 = arith.constant 0 : i32
      %lt3A_606 = arith.cmpi slt, %select_n3A_599, %lt3A_605 : i32
      %ne3A_607 = arith.xori %lt3A_604, %lt3A_606 : i1
      %and3A_608 = arith.andi %ne3A_607, %ne3A_602 : i1
      %add3A_609 = arith.addi %rem3A_600, %select_n3A_599 : i32
      %select_n3A_610 = arith.select %and3A_608, %add3A_609, %rem3A_600 : i32
      %mul3A_611 = arith.constant 128 : i32
      %mul3A_612 = arith.muli %select_n3A_610, %mul3A_611 : i32
      %dma_start3A_613 = arith.constant 2 : i32
      %dma_start3A_614 = arith.constant 0 : i32
      %dma_start3A_615 = arith.constant 0 : i32
      %dma_start3A_616 = tpu.memref_slice %arg7[%dma_start3A_613, %dma_start3A_614, %dma_start3A_615] : memref<4x128x128xf32, #tpu.memory_space<vmem>> -> memref<1x128x128xf32, #tpu.memory_space<vmem>>
      %dma_start3A_617 = tpu.memref_squeeze %dma_start3A_616 : memref<1x128x128xf32, #tpu.memory_space<vmem>> -> memref<128x128xf32, #tpu.memory_space<vmem>>
      %dma_start3A_618 = arith.constant 0 : i32
      %dma_start3A_619 = tpu.memref_slice %arg5[%select_n3A_594, %mul3A_612, %dma_start3A_618] : memref<200x4096x128xf32, #tpu.memory_space<hbm>> -> memref<1x128x128xf32, #tpu.memory_space<hbm>>
      %dma_start3A_620 = tpu.memref_squeeze %dma_start3A_619 : memref<1x128x128xf32, #tpu.memory_space<hbm>> -> memref<128x128xf32, #tpu.memory_space<hbm>>
      %dma_start3A_621 = arith.constant 0 : i32
      %dma_start3A_622 = tpu.memref_slice %arg5[%select_n3A_594, %mul3A_612, %dma_start3A_621] : memref<200x4096x128xf32, #tpu.memory_space<hbm>> -> memref<1x128x128xf32, #tpu.memory_space<hbm>>
      %dma_start3A_623 = tpu.memref_squeeze %dma_start3A_622 : memref<1x128x128xf32, #tpu.memory_space<hbm>> -> memref<128x128xf32, #tpu.memory_space<hbm>>
      %dma_start3A_624 = arith.constant 0 : i32
      %dma_start3A_625 = arith.constant 0 : i32
      %dma_start3A_626 = tpu.memref_slice %arg7[%dma_start3A_613, %dma_start3A_624, %dma_start3A_625] : memref<4x128x128xf32, #tpu.memory_space<vmem>> -> memref<1x128x128xf32, #tpu.memory_space<vmem>>
      %dma_start3A_627 = tpu.memref_squeeze %dma_start3A_626 : memref<1x128x128xf32, #tpu.memory_space<vmem>> -> memref<128x128xf32, #tpu.memory_space<vmem>>
      tpu.enqueue_dma source(%dma_start3A_627 : memref<128x128xf32, #tpu.memory_space<vmem>>) target(%dma_start3A_623 : memref<128x128xf32, #tpu.memory_space<hbm>>) target_semaphore(%arg15 : memref<!tpu.dma_semaphore, #tpu.memory_space<semaphore_mem>>)
      %add3A_628 = arith.constant 3 : i32
      %add3A_629 = arith.addi %add3A_271, %add3A_628 : i32
      %add3A_630 = arith.constant 4 : i32
      %add3A_631 = arith.addi %add3A_629, %add3A_630 : i32
      %sub3A_632 = arith.constant 1 : i32
      %sub3A_633 = arith.subi %add3A_631, %sub3A_632 : i32
      %lt3A_634 = arith.constant 200 : i32
      %lt3A_635 = arith.cmpi slt, %sub3A_633, %lt3A_634 : i32
      %convert_element_type3A_636 = arith.extui %lt3A_635 : i1 to i32
      %cond3A_637 = arith.constant 0 : i32
      %cond3A_638 = arith.cmpi ne, %convert_element_type3A_636, %cond3A_637 : i32
      scf.if %cond3A_638 {
        %gt3A = arith.constant 0 : i32
        %gt3A_748 = arith.cmpi sgt, %add3A_629, %gt3A : i32
        %convert_element_type3A_749 = arith.extui %gt3A_748 : i1 to i32
        %cond3A_750 = arith.constant 0 : i32
        %cond3A_751 = arith.cmpi ne, %convert_element_type3A_749, %cond3A_750 : i32
        scf.if %cond3A_751 {
          %sub3A_767 = arith.constant 1 : i32
          %sub3A_768 = arith.subi %add3A_629, %sub3A_767 : i32
          %add3A_769 = arith.addi %mul3A_2, %sub3A_768 : i32
          %jit3A_770 = arith.constant 32 : i32
          %div3A_771 = arith.divsi %add3A_769, %jit3A_770 : i32
          %sign3A_772 = arith.constant 0 : i32
          %sign3A_773 = arith.cmpi sgt, %add3A_769, %sign3A_772 : i32
          %sign3A_774 = arith.extui %sign3A_773 : i1 to i32
          %sign3A_775 = arith.constant 0 : i32
          %sign3A_776 = arith.cmpi slt, %add3A_769, %sign3A_775 : i32
          %sign3A_777 = arith.extui %sign3A_776 : i1 to i32
          %sign3A_778 = arith.subi %sign3A_774, %sign3A_777 : i32
          %sign3A_779 = arith.constant 0 : i32
          %sign3A_780 = arith.cmpi sgt, %jit3A_770, %sign3A_779 : i32
          %sign3A_781 = arith.extui %sign3A_780 : i1 to i32
          %sign3A_782 = arith.constant 0 : i32
          %sign3A_783 = arith.cmpi slt, %jit3A_770, %sign3A_782 : i32
          %sign3A_784 = arith.extui %sign3A_783 : i1 to i32
          %sign3A_785 = arith.subi %sign3A_781, %sign3A_784 : i32
          %ne3A_786 = arith.cmpi ne, %sign3A_778, %sign3A_785 : i32
          %rem3A_787 = arith.remsi %add3A_769, %jit3A_770 : i32
          %ne3A_788 = arith.constant 0 : i32
          %ne3A_789 = arith.cmpi ne, %rem3A_787, %ne3A_788 : i32
          %and3A_790 = arith.andi %ne3A_786, %ne3A_789 : i1
          %sub3A_791 = arith.constant 1 : i32
          %sub3A_792 = arith.subi %div3A_771, %sub3A_791 : i32
          %select_n3A_793 = arith.select %and3A_790, %sub3A_792, %div3A_771 : i32
          %jit3A_794 = arith.constant 32 : i32
          %eq3A_795 = arith.constant 0 : i32
          %eq3A_796 = arith.cmpi eq, %jit3A_794, %eq3A_795 : i32
          %jit3A_797 = arith.constant 1 : i32
          %select_n3A_798 = arith.select %eq3A_796, %jit3A_797, %jit3A_794 : i32
          %rem3A_799 = arith.remsi %add3A_769, %select_n3A_798 : i32
          %ne3A_800 = arith.constant 0 : i32
          %ne3A_801 = arith.cmpi ne, %rem3A_799, %ne3A_800 : i32
          %lt3A_802 = arith.constant 0 : i32
          %lt3A_803 = arith.cmpi slt, %rem3A_799, %lt3A_802 : i32
          %lt3A_804 = arith.constant 0 : i32
          %lt3A_805 = arith.cmpi slt, %select_n3A_798, %lt3A_804 : i32
          %ne3A_806 = arith.xori %lt3A_803, %lt3A_805 : i1
          %and3A_807 = arith.andi %ne3A_806, %ne3A_801 : i1
          %add3A_808 = arith.addi %rem3A_799, %select_n3A_798 : i32
          %select_n3A_809 = arith.select %and3A_807, %add3A_808, %rem3A_799 : i32
          %mul3A_810 = arith.constant 128 : i32
          %mul3A_811 = arith.muli %select_n3A_809, %mul3A_810 : i32
          %dma_wait3A_812 = arith.constant 2 : i32
          %dma_wait3A_813 = arith.constant 0 : i32
          %dma_wait3A_814 = arith.constant 0 : i32
          %dma_wait3A_815 = tpu.memref_slice %arg7[%dma_wait3A_812, %dma_wait3A_813, %dma_wait3A_814] : memref<4x128x128xf32, #tpu.memory_space<vmem>> -> memref<1x128x128xf32, #tpu.memory_space<vmem>>
          %dma_wait3A_816 = tpu.memref_squeeze %dma_wait3A_815 : memref<1x128x128xf32, #tpu.memory_space<vmem>> -> memref<128x128xf32, #tpu.memory_space<vmem>>
          %dma_wait3A_817 = arith.constant 0 : i32
          %dma_wait3A_818 = tpu.memref_slice %arg5[%select_n3A_793, %mul3A_811, %dma_wait3A_817] : memref<200x4096x128xf32, #tpu.memory_space<hbm>> -> memref<1x128x128xf32, #tpu.memory_space<hbm>>
          %dma_wait3A_819 = tpu.memref_squeeze %dma_wait3A_818 : memref<1x128x128xf32, #tpu.memory_space<hbm>> -> memref<128x128xf32, #tpu.memory_space<hbm>>
          %dma_wait3A_820 = arith.constant 0 : i32
          %dma_wait3A_821 = tpu.memref_slice %arg5[%select_n3A_793, %mul3A_811, %dma_wait3A_820] : memref<200x4096x128xf32, #tpu.memory_space<hbm>> -> memref<1x128x128xf32, #tpu.memory_space<hbm>>
          %dma_wait3A_822 = tpu.memref_squeeze %dma_wait3A_821 : memref<1x128x128xf32, #tpu.memory_space<hbm>> -> memref<128x128xf32, #tpu.memory_space<hbm>>
          %dma_wait3A_823 = arith.constant 0 : i32
          %dma_wait3A_824 = arith.constant 0 : i32
          %dma_wait3A_825 = tpu.memref_slice %arg7[%dma_wait3A_812, %dma_wait3A_823, %dma_wait3A_824] : memref<4x128x128xf32, #tpu.memory_space<vmem>> -> memref<1x128x128xf32, #tpu.memory_space<vmem>>
          %dma_wait3A_826 = tpu.memref_squeeze %dma_wait3A_825 : memref<1x128x128xf32, #tpu.memory_space<vmem>> -> memref<128x128xf32, #tpu.memory_space<vmem>>
          tpu.wait_dma2 semaphore(%arg15 : memref<!tpu.dma_semaphore, #tpu.memory_space<semaphore_mem>>) src(%dma_wait3A_826 : memref<128x128xf32, #tpu.memory_space<vmem>>) dst(%dma_wait3A_822 : memref<128x128xf32, #tpu.memory_space<hbm>>)
        } else {
        }
        %add3A_752 = arith.constant 4 : i32
        %add3A_753 = arith.addi %add3A_629, %add3A_752 : i32
        %sub3A_754 = arith.constant 1 : i32
        %sub3A_755 = arith.subi %add3A_753, %sub3A_754 : i32
        %dma_start3A_756 = arith.constant 2 : i32
        %dma_start3A_757 = arith.constant 0 : i32
        %dma_start3A_758 = arith.constant 0 : i32
        %dma_start3A_759 = tpu.memref_slice %arg7[%dma_start3A_756, %dma_start3A_757, %dma_start3A_758] : memref<4x128x128xf32, #tpu.memory_space<vmem>> -> memref<1x128x128xf32, #tpu.memory_space<vmem>>
        %dma_start3A_760 = tpu.memref_squeeze %dma_start3A_759 : memref<1x128x128xf32, #tpu.memory_space<vmem>> -> memref<128x128xf32, #tpu.memory_space<vmem>>
        %dma_start3A_761 = arith.constant 0 : i32
        %dma_start3A_762 = tpu.memref_slice %arg6[%sub3A_755, %dma_start3A_761] : memref<200x128xi32, #tpu.memory_space<vmem>> -> memref<1x128xi32, #tpu.memory_space<vmem>>
        %dma_start3A_763 = tpu.memref_squeeze %dma_start3A_762 : memref<1x128xi32, #tpu.memory_space<vmem>> -> memref<128xi32, #tpu.memory_space<vmem>>
        %dma_start3A_764 = arith.constant 0 : i32
        %dma_start3A_765 = arith.constant 0 : i32
        %dma_start3A_766 = tpu.memref_slice %arg2[%dma_start3A_764, %dma_start3A_765] : memref<1000000x128xf32, #tpu.memory_space<hbm>> -> memref<1000000x128xf32, #tpu.memory_space<hbm>>
        tpu.enqueue_indirect_dma source(%dma_start3A_766 : memref<1000000x128xf32, #tpu.memory_space<hbm>>) target(%dma_start3A_760 : memref<128x128xf32, #tpu.memory_space<vmem>>) offsets(%dma_start3A_763 : memref<128xi32, #tpu.memory_space<vmem>>) semaphore(%arg11 : memref<!tpu.dma_semaphore, #tpu.memory_space<semaphore_mem>>)
      } else {
      }
      %add3A_639 = arith.addi %mul3A_2, %add3A_629 : i32
      %jit3A_640 = arith.constant 32 : i32
      %div3A_641 = arith.divsi %add3A_639, %jit3A_640 : i32
      %sign3A_642 = arith.constant 0 : i32
      %sign3A_643 = arith.cmpi sgt, %add3A_639, %sign3A_642 : i32
      %sign3A_644 = arith.extui %sign3A_643 : i1 to i32
      %sign3A_645 = arith.constant 0 : i32
      %sign3A_646 = arith.cmpi slt, %add3A_639, %sign3A_645 : i32
      %sign3A_647 = arith.extui %sign3A_646 : i1 to i32
      %sign3A_648 = arith.subi %sign3A_644, %sign3A_647 : i32
      %sign3A_649 = arith.constant 0 : i32
      %sign3A_650 = arith.cmpi sgt, %jit3A_640, %sign3A_649 : i32
      %sign3A_651 = arith.extui %sign3A_650 : i1 to i32
      %sign3A_652 = arith.constant 0 : i32
      %sign3A_653 = arith.cmpi slt, %jit3A_640, %sign3A_652 : i32
      %sign3A_654 = arith.extui %sign3A_653 : i1 to i32
      %sign3A_655 = arith.subi %sign3A_651, %sign3A_654 : i32
      %ne3A_656 = arith.cmpi ne, %sign3A_648, %sign3A_655 : i32
      %rem3A_657 = arith.remsi %add3A_639, %jit3A_640 : i32
      %ne3A_658 = arith.constant 0 : i32
      %ne3A_659 = arith.cmpi ne, %rem3A_657, %ne3A_658 : i32
      %and3A_660 = arith.andi %ne3A_656, %ne3A_659 : i1
      %sub3A_661 = arith.constant 1 : i32
      %sub3A_662 = arith.subi %div3A_641, %sub3A_661 : i32
      %select_n3A_663 = arith.select %and3A_660, %sub3A_662, %div3A_641 : i32
      %dma_wait3A_664 = arith.constant 3 : i32
      %dma_wait3A_665 = arith.constant 0 : i32
      %dma_wait3A_666 = arith.constant 0 : i32
      %dma_wait3A_667 = tpu.memref_slice %arg7[%dma_wait3A_664, %dma_wait3A_665, %dma_wait3A_666] : memref<4x128x128xf32, #tpu.memory_space<vmem>> -> memref<1x128x128xf32, #tpu.memory_space<vmem>>
      %dma_wait3A_668 = tpu.memref_squeeze %dma_wait3A_667 : memref<1x128x128xf32, #tpu.memory_space<vmem>> -> memref<128x128xf32, #tpu.memory_space<vmem>>
      %dma_wait3A_669 = arith.constant 0 : i32
      %dma_wait3A_670 = tpu.memref_slice %arg6[%add3A_629, %dma_wait3A_669] : memref<200x128xi32, #tpu.memory_space<vmem>> -> memref<1x128xi32, #tpu.memory_space<vmem>>
      %dma_wait3A_671 = tpu.memref_squeeze %dma_wait3A_670 : memref<1x128xi32, #tpu.memory_space<vmem>> -> memref<128xi32, #tpu.memory_space<vmem>>
      %dma_wait3A_672 = arith.constant 0 : i32
      %dma_wait3A_673 = arith.constant 0 : i32
      %dma_wait3A_674 = tpu.memref_slice %arg2[%dma_wait3A_672, %dma_wait3A_673] : memref<1000000x128xf32, #tpu.memory_space<hbm>> -> memref<1000000x128xf32, #tpu.memory_space<hbm>>
      tpu.wait_indirect_dma semaphore(%arg12 : memref<!tpu.dma_semaphore, #tpu.memory_space<semaphore_mem>>) src(%dma_wait3A_674 : memref<1000000x128xf32, #tpu.memory_space<hbm>>) dst(%dma_wait3A_668 : memref<128x128xf32, #tpu.memory_space<vmem>>)
      %get3A_675 = arith.index_cast %select_n3A_663 : i32 to index
      %get3A_676 = arith.constant 0 : index
      %get3A_677 = tpu.vector_load %arg8[%get3A_675, %get3A_676] {strides = array<i32>} : memref<200x64xf32, #tpu.memory_space<vmem>>, vector<16xf32>,
      %get3A_678 = arith.index_cast %select_n3A_663 : i32 to index
      %get3A_679 = arith.constant 16 : index
      %get3A_680 = tpu.vector_load %arg8[%get3A_678, %get3A_679] {strides = array<i32>} : memref<200x64xf32, #tpu.memory_space<vmem>>, vector<16xf32>,
      %get3A_681 = arith.index_cast %select_n3A_663 : i32 to index
      %get3A_682 = arith.constant 32 : index
      %get3A_683 = tpu.vector_load %arg8[%get3A_681, %get3A_682] {strides = array<i32>} : memref<200x64xf32, #tpu.memory_space<vmem>>, vector<16xf32>,
      %get3A_684 = arith.index_cast %select_n3A_663 : i32 to index
      %get3A_685 = arith.constant 48 : index
      %get3A_686 = tpu.vector_load %arg8[%get3A_684, %get3A_685] {strides = array<i32>} : memref<200x64xf32, #tpu.memory_space<vmem>>, vector<16xf32>,
      %parallel_loop3A_687 = arith.constant 0 : i32
      %parallel_loop3A_688 = arith.constant 128 : i32
      %parallel_loop3A_689 = arith.constant 1 : i32
      scf.for %parallel_loop3A_748 = %parallel_loop3A_687 to %parallel_loop3A_688 step %parallel_loop3A_689  : i32 {
        %parallel_loop3A_749 = arith.constant 3 : i32
        %parallel_loop3A_750 = arith.index_cast %parallel_loop3A_749 : i32 to index
        %parallel_loop3A_751 = arith.index_cast %parallel_loop3A_748 : i32 to index
        %parallel_loop3A_752 = arith.constant 0 : index
        %parallel_loop3A_753 = tpu.vector_load %arg7[%parallel_loop3A_750, %parallel_loop3A_751, %parallel_loop3A_752] {strides = array<i32>} : memref<4x128x128xf32, #tpu.memory_space<vmem>>, vector<16xf32>,
        %parallel_loop3A_754 = arith.addf %parallel_loop3A_753, %get3A_677 : vector<16xf32>
        %parallel_loop3A_755 = arith.constant 3 : i32
        %parallel_loop3A_756 = arith.index_cast %parallel_loop3A_755 : i32 to index
        %parallel_loop3A_757 = arith.index_cast %parallel_loop3A_748 : i32 to index
        %parallel_loop3A_758 = arith.constant 0 : index
        %parallel_loop3A_759 = tpu.vector_load %arg7[%parallel_loop3A_756, %parallel_loop3A_757, %parallel_loop3A_758] {strides = array<i32>} : memref<4x128x128xf32, #tpu.memory_space<vmem>>, vector<16xf32>,
        tpu.vector_store %arg7[%parallel_loop3A_756, %parallel_loop3A_757, %parallel_loop3A_758], %parallel_loop3A_754 {strides = array<i32>} : memref<4x128x128xf32, #tpu.memory_space<vmem>>, vector<16xf32>,
        %parallel_loop3A_760 = arith.constant 3 : i32
        %parallel_loop3A_761 = arith.index_cast %parallel_loop3A_760 : i32 to index
        %parallel_loop3A_762 = arith.index_cast %parallel_loop3A_748 : i32 to index
        %parallel_loop3A_763 = arith.constant 16 : index
        %parallel_loop3A_764 = tpu.vector_load %arg7[%parallel_loop3A_761, %parallel_loop3A_762, %parallel_loop3A_763] {strides = array<i32>} : memref<4x128x128xf32, #tpu.memory_space<vmem>>, vector<16xf32>,
        %parallel_loop3A_765 = arith.addf %parallel_loop3A_764, %get3A_680 : vector<16xf32>
        %parallel_loop3A_766 = arith.constant 3 : i32
        %parallel_loop3A_767 = arith.index_cast %parallel_loop3A_766 : i32 to index
        %parallel_loop3A_768 = arith.index_cast %parallel_loop3A_748 : i32 to index
        %parallel_loop3A_769 = arith.constant 16 : index
        %parallel_loop3A_770 = tpu.vector_load %arg7[%parallel_loop3A_767, %parallel_loop3A_768, %parallel_loop3A_769] {strides = array<i32>} : memref<4x128x128xf32, #tpu.memory_space<vmem>>, vector<16xf32>,
        tpu.vector_store %arg7[%parallel_loop3A_767, %parallel_loop3A_768, %parallel_loop3A_769], %parallel_loop3A_765 {strides = array<i32>} : memref<4x128x128xf32, #tpu.memory_space<vmem>>, vector<16xf32>,
        %parallel_loop3A_771 = arith.constant 3 : i32
        %parallel_loop3A_772 = arith.index_cast %parallel_loop3A_771 : i32 to index
        %parallel_loop3A_773 = arith.index_cast %parallel_loop3A_748 : i32 to index
        %parallel_loop3A_774 = arith.constant 32 : index
        %parallel_loop3A_775 = tpu.vector_load %arg7[%parallel_loop3A_772, %parallel_loop3A_773, %parallel_loop3A_774] {strides = array<i32>} : memref<4x128x128xf32, #tpu.memory_space<vmem>>, vector<16xf32>,
        %parallel_loop3A_776 = arith.addf %parallel_loop3A_775, %get3A_683 : vector<16xf32>
        %parallel_loop3A_777 = arith.constant 3 : i32
        %parallel_loop3A_778 = arith.index_cast %parallel_loop3A_777 : i32 to index
        %parallel_loop3A_779 = arith.index_cast %parallel_loop3A_748 : i32 to index
        %parallel_loop3A_780 = arith.constant 32 : index
        %parallel_loop3A_781 = tpu.vector_load %arg7[%parallel_loop3A_778, %parallel_loop3A_779, %parallel_loop3A_780] {strides = array<i32>} : memref<4x128x128xf32, #tpu.memory_space<vmem>>, vector<16xf32>,
        tpu.vector_store %arg7[%parallel_loop3A_778, %parallel_loop3A_779, %parallel_loop3A_780], %parallel_loop3A_776 {strides = array<i32>} : memref<4x128x128xf32, #tpu.memory_space<vmem>>, vector<16xf32>,
        %parallel_loop3A_782 = arith.constant 3 : i32
        %parallel_loop3A_783 = arith.index_cast %parallel_loop3A_782 : i32 to index
        %parallel_loop3A_784 = arith.index_cast %parallel_loop3A_748 : i32 to index
        %parallel_loop3A_785 = arith.constant 48 : index
        %parallel_loop3A_786 = tpu.vector_load %arg7[%parallel_loop3A_783, %parallel_loop3A_784, %parallel_loop3A_785] {strides = array<i32>} : memref<4x128x128xf32, #tpu.memory_space<vmem>>, vector<16xf32>,
        %parallel_loop3A_787 = arith.addf %parallel_loop3A_786, %get3A_686 : vector<16xf32>
        %parallel_loop3A_788 = arith.constant 3 : i32
        %parallel_loop3A_789 = arith.index_cast %parallel_loop3A_788 : i32 to index
        %parallel_loop3A_790 = arith.index_cast %parallel_loop3A_748 : i32 to index
        %parallel_loop3A_791 = arith.constant 48 : index
        %parallel_loop3A_792 = tpu.vector_load %arg7[%parallel_loop3A_789, %parallel_loop3A_790, %parallel_loop3A_791] {strides = array<i32>} : memref<4x128x128xf32, #tpu.memory_space<vmem>>, vector<16xf32>,
        tpu.vector_store %arg7[%parallel_loop3A_789, %parallel_loop3A_790, %parallel_loop3A_791], %parallel_loop3A_787 {strides = array<i32>} : memref<4x128x128xf32, #tpu.memory_space<vmem>>, vector<16xf32>,
      } {sc.loop_unroll_factor = 4 : i64, sc.parallel_access}
      %add3A_690 = arith.addi %mul3A_2, %add3A_629 : i32
      %jit3A_691 = arith.constant 32 : i32
      %div3A_692 = arith.divsi %add3A_690, %jit3A_691 : i32
      %sign3A_693 = arith.constant 0 : i32
      %sign3A_694 = arith.cmpi sgt, %add3A_690, %sign3A_693 : i32
      %sign3A_695 = arith.extui %sign3A_694 : i1 to i32
      %sign3A_696 = arith.constant 0 : i32
      %sign3A_697 = arith.cmpi slt, %add3A_690, %sign3A_696 : i32
      %sign3A_698 = arith.extui %sign3A_697 : i1 to i32
      %sign3A_699 = arith.subi %sign3A_695, %sign3A_698 : i32
      %sign3A_700 = arith.constant 0 : i32
      %sign3A_701 = arith.cmpi sgt, %jit3A_691, %sign3A_700 : i32
      %sign3A_702 = arith.extui %sign3A_701 : i1 to i32
      %sign3A_703 = arith.constant 0 : i32
      %sign3A_704 = arith.cmpi slt, %jit3A_691, %sign3A_703 : i32
      %sign3A_705 = arith.extui %sign3A_704 : i1 to i32
      %sign3A_706 = arith.subi %sign3A_702, %sign3A_705 : i32
      %ne3A_707 = arith.cmpi ne, %sign3A_699, %sign3A_706 : i32
      %rem3A_708 = arith.remsi %add3A_690, %jit3A_691 : i32
      %ne3A_709 = arith.constant 0 : i32
      %ne3A_710 = arith.cmpi ne, %rem3A_708, %ne3A_709 : i32
      %and3A_711 = arith.andi %ne3A_707, %ne3A_710 : i1
      %sub3A_712 = arith.constant 1 : i32
      %sub3A_713 = arith.subi %div3A_692, %sub3A_712 : i32
      %select_n3A_714 = arith.select %and3A_711, %sub3A_713, %div3A_692 : i32
      %jit3A_715 = arith.constant 32 : i32
      %eq3A_716 = arith.constant 0 : i32
      %eq3A_717 = arith.cmpi eq, %jit3A_715, %eq3A_716 : i32
      %jit3A_718 = arith.constant 1 : i32
      %select_n3A_719 = arith.select %eq3A_717, %jit3A_718, %jit3A_715 : i32
      %rem3A_720 = arith.remsi %add3A_690, %select_n3A_719 : i32
      %ne3A_721 = arith.constant 0 : i32
      %ne3A_722 = arith.cmpi ne, %rem3A_720, %ne3A_721 : i32
      %lt3A_723 = arith.constant 0 : i32
      %lt3A_724 = arith.cmpi slt, %rem3A_720, %lt3A_723 : i32
      %lt3A_725 = arith.constant 0 : i32
      %lt3A_726 = arith.cmpi slt, %select_n3A_719, %lt3A_725 : i32
      %ne3A_727 = arith.xori %lt3A_724, %lt3A_726 : i1
      %and3A_728 = arith.andi %ne3A_727, %ne3A_722 : i1
      %add3A_729 = arith.addi %rem3A_720, %select_n3A_719 : i32
      %select_n3A_730 = arith.select %and3A_728, %add3A_729, %rem3A_720 : i32
      %mul3A_731 = arith.constant 128 : i32
      %mul3A_732 = arith.muli %select_n3A_730, %mul3A_731 : i32
      %dma_start3A_733 = arith.constant 3 : i32
      %dma_start3A_734 = arith.constant 0 : i32
      %dma_start3A_735 = arith.constant 0 : i32
      %dma_start3A_736 = tpu.memref_slice %arg7[%dma_start3A_733, %dma_start3A_734, %dma_start3A_735] : memref<4x128x128xf32, #tpu.memory_space<vmem>> -> memref<1x128x128xf32, #tpu.memory_space<vmem>>
      %dma_start3A_737 = tpu.memref_squeeze %dma_start3A_736 : memref<1x128x128xf32, #tpu.memory_space<vmem>> -> memref<128x128xf32, #tpu.memory_space<vmem>>
      %dma_start3A_738 = arith.constant 0 : i32
      %dma_start3A_739 = tpu.memref_slice %arg5[%select_n3A_714, %mul3A_732, %dma_start3A_738] : memref<200x4096x128xf32, #tpu.memory_space<hbm>> -> memref<1x128x128xf32, #tpu.memory_space<hbm>>
      %dma_start3A_740 = tpu.memref_squeeze %dma_start3A_739 : memref<1x128x128xf32, #tpu.memory_space<hbm>> -> memref<128x128xf32, #tpu.memory_space<hbm>>
      %dma_start3A_741 = arith.constant 0 : i32
      %dma_start3A_742 = tpu.memref_slice %arg5[%select_n3A_714, %mul3A_732, %dma_start3A_741] : memref<200x4096x128xf32, #tpu.memory_space<hbm>> -> memref<1x128x128xf32, #tpu.memory_space<hbm>>
      %dma_start3A_743 = tpu.memref_squeeze %dma_start3A_742 : memref<1x128x128xf32, #tpu.memory_space<hbm>> -> memref<128x128xf32, #tpu.memory_space<hbm>>
      %dma_start3A_744 = arith.constant 0 : i32
      %dma_start3A_745 = arith.constant 0 : i32
      %dma_start3A_746 = tpu.memref_slice %arg7[%dma_start3A_733, %dma_start3A_744, %dma_start3A_745] : memref<4x128x128xf32, #tpu.memory_space<vmem>> -> memref<1x128x128xf32, #tpu.memory_space<vmem>>
      %dma_start3A_747 = tpu.memref_squeeze %dma_start3A_746 : memref<1x128x128xf32, #tpu.memory_space<vmem>> -> memref<128x128xf32, #tpu.memory_space<vmem>>
      tpu.enqueue_dma source(%dma_start3A_747 : memref<128x128xf32, #tpu.memory_space<vmem>>) target(%dma_start3A_743 : memref<128x128xf32, #tpu.memory_space<hbm>>) target_semaphore(%arg16 : memref<!tpu.dma_semaphore, #tpu.memory_space<semaphore_mem>>)
    }
    %scan3A_41 = arith.constant 50 : i32
    %add3A_42 = arith.constant 196 : i32
    %add3A_43 = arith.addi %mul3A_2, %add3A_42 : i32
    %jit3A = arith.constant 32 : i32
    %div3A = arith.divsi %add3A_43, %jit3A : i32
    %sign3A = arith.constant 0 : i32
    %sign3A_44 = arith.cmpi sgt, %add3A_43, %sign3A : i32
    %sign3A_45 = arith.extui %sign3A_44 : i1 to i32
    %sign3A_46 = arith.constant 0 : i32
    %sign3A_47 = arith.cmpi slt, %add3A_43, %sign3A_46 : i32
    %sign3A_48 = arith.extui %sign3A_47 : i1 to i32
    %sign3A_49 = arith.subi %sign3A_45, %sign3A_48 : i32
    %sign3A_50 = arith.constant 0 : i32
    %sign3A_51 = arith.cmpi sgt, %jit3A, %sign3A_50 : i32
    %sign3A_52 = arith.extui %sign3A_51 : i1 to i32
    %sign3A_53 = arith.constant 0 : i32
    %sign3A_54 = arith.cmpi slt, %jit3A, %sign3A_53 : i32
    %sign3A_55 = arith.extui %sign3A_54 : i1 to i32
    %sign3A_56 = arith.subi %sign3A_52, %sign3A_55 : i32
    %ne3A = arith.cmpi ne, %sign3A_49, %sign3A_56 : i32
    %rem3A = arith.remsi %add3A_43, %jit3A : i32
    %ne3A_57 = arith.constant 0 : i32
    %ne3A_58 = arith.cmpi ne, %rem3A, %ne3A_57 : i32
    %and3A = arith.andi %ne3A, %ne3A_58 : i1
    %sub3A = arith.constant 1 : i32
    %sub3A_59 = arith.subi %div3A, %sub3A : i32
    %select_n3A = arith.select %and3A, %sub3A_59, %div3A : i32
    %jit3A_60 = arith.constant 32 : i32
    %eq3A = arith.constant 0 : i32
    %eq3A_61 = arith.cmpi eq, %jit3A_60, %eq3A : i32
    %jit3A_62 = arith.constant 1 : i32
    %select_n3A_63 = arith.select %eq3A_61, %jit3A_62, %jit3A_60 : i32
    %rem3A_64 = arith.remsi %add3A_43, %select_n3A_63 : i32
    %ne3A_65 = arith.constant 0 : i32
    %ne3A_66 = arith.cmpi ne, %rem3A_64, %ne3A_65 : i32
    %lt3A = arith.constant 0 : i32
    %lt3A_67 = arith.cmpi slt, %rem3A_64, %lt3A : i32
    %lt3A_68 = arith.constant 0 : i32
    %lt3A_69 = arith.cmpi slt, %select_n3A_63, %lt3A_68 : i32
    %ne3A_70 = arith.xori %lt3A_67, %lt3A_69 : i1
    %and3A_71 = arith.andi %ne3A_70, %ne3A_66 : i1
    %add3A_72 = arith.addi %rem3A_64, %select_n3A_63 : i32
    %select_n3A_73 = arith.select %and3A_71, %add3A_72, %rem3A_64 : i32
    %mul3A_74 = arith.constant 128 : i32
    %mul3A_75 = arith.muli %select_n3A_73, %mul3A_74 : i32
    %dma_wait3A = arith.constant 0 : i32
    %dma_wait3A_76 = arith.constant 0 : i32
    %dma_wait3A_77 = arith.constant 0 : i32
    %dma_wait3A_78 = tpu.memref_slice %arg7[%dma_wait3A, %dma_wait3A_76, %dma_wait3A_77] : memref<4x128x128xf32, #tpu.memory_space<vmem>> -> memref<1x128x128xf32, #tpu.memory_space<vmem>>
    %dma_wait3A_79 = tpu.memref_squeeze %dma_wait3A_78 : memref<1x128x128xf32, #tpu.memory_space<vmem>> -> memref<128x128xf32, #tpu.memory_space<vmem>>
    %dma_wait3A_80 = arith.constant 0 : i32
    %dma_wait3A_81 = tpu.memref_slice %arg5[%select_n3A, %mul3A_75, %dma_wait3A_80] : memref<200x4096x128xf32, #tpu.memory_space<hbm>> -> memref<1x128x128xf32, #tpu.memory_space<hbm>>
    %dma_wait3A_82 = tpu.memref_squeeze %dma_wait3A_81 : memref<1x128x128xf32, #tpu.memory_space<hbm>> -> memref<128x128xf32, #tpu.memory_space<hbm>>
    %dma_wait3A_83 = arith.constant 0 : i32
    %dma_wait3A_84 = tpu.memref_slice %arg5[%select_n3A, %mul3A_75, %dma_wait3A_83] : memref<200x4096x128xf32, #tpu.memory_space<hbm>> -> memref<1x128x128xf32, #tpu.memory_space<hbm>>
    %dma_wait3A_85 = tpu.memref_squeeze %dma_wait3A_84 : memref<1x128x128xf32, #tpu.memory_space<hbm>> -> memref<128x128xf32, #tpu.memory_space<hbm>>
    %dma_wait3A_86 = arith.constant 0 : i32
    %dma_wait3A_87 = arith.constant 0 : i32
    %dma_wait3A_88 = tpu.memref_slice %arg7[%dma_wait3A, %dma_wait3A_86, %dma_wait3A_87] : memref<4x128x128xf32, #tpu.memory_space<vmem>> -> memref<1x128x128xf32, #tpu.memory_space<vmem>>
    %dma_wait3A_89 = tpu.memref_squeeze %dma_wait3A_88 : memref<1x128x128xf32, #tpu.memory_space<vmem>> -> memref<128x128xf32, #tpu.memory_space<vmem>>
    tpu.wait_dma2 semaphore(%arg13 : memref<!tpu.dma_semaphore, #tpu.memory_space<semaphore_mem>>) src(%dma_wait3A_89 : memref<128x128xf32, #tpu.memory_space<vmem>>) dst(%dma_wait3A_85 : memref<128x128xf32, #tpu.memory_space<hbm>>)
    %add3A_90 = arith.constant 197 : i32
    %add3A_91 = arith.addi %mul3A_2, %add3A_90 : i32
    %jit3A_92 = arith.constant 32 : i32
    %div3A_93 = arith.divsi %add3A_91, %jit3A_92 : i32
    %sign3A_94 = arith.constant 0 : i32
    %sign3A_95 = arith.cmpi sgt, %add3A_91, %sign3A_94 : i32
    %sign3A_96 = arith.extui %sign3A_95 : i1 to i32
    %sign3A_97 = arith.constant 0 : i32
    %sign3A_98 = arith.cmpi slt, %add3A_91, %sign3A_97 : i32
    %sign3A_99 = arith.extui %sign3A_98 : i1 to i32
    %sign3A_100 = arith.subi %sign3A_96, %sign3A_99 : i32
    %sign3A_101 = arith.constant 0 : i32
    %sign3A_102 = arith.cmpi sgt, %jit3A_92, %sign3A_101 : i32
    %sign3A_103 = arith.extui %sign3A_102 : i1 to i32
    %sign3A_104 = arith.constant 0 : i32
    %sign3A_105 = arith.cmpi slt, %jit3A_92, %sign3A_104 : i32
    %sign3A_106 = arith.extui %sign3A_105 : i1 to i32
    %sign3A_107 = arith.subi %sign3A_103, %sign3A_106 : i32
    %ne3A_108 = arith.cmpi ne, %sign3A_100, %sign3A_107 : i32
    %rem3A_109 = arith.remsi %add3A_91, %jit3A_92 : i32
    %ne3A_110 = arith.constant 0 : i32
    %ne3A_111 = arith.cmpi ne, %rem3A_109, %ne3A_110 : i32
    %and3A_112 = arith.andi %ne3A_108, %ne3A_111 : i1
    %sub3A_113 = arith.constant 1 : i32
    %sub3A_114 = arith.subi %div3A_93, %sub3A_113 : i32
    %select_n3A_115 = arith.select %and3A_112, %sub3A_114, %div3A_93 : i32
    %jit3A_116 = arith.constant 32 : i32
    %eq3A_117 = arith.constant 0 : i32
    %eq3A_118 = arith.cmpi eq, %jit3A_116, %eq3A_117 : i32
    %jit3A_119 = arith.constant 1 : i32
    %select_n3A_120 = arith.select %eq3A_118, %jit3A_119, %jit3A_116 : i32
    %rem3A_121 = arith.remsi %add3A_91, %select_n3A_120 : i32
    %ne3A_122 = arith.constant 0 : i32
    %ne3A_123 = arith.cmpi ne, %rem3A_121, %ne3A_122 : i32
    %lt3A_124 = arith.constant 0 : i32
    %lt3A_125 = arith.cmpi slt, %rem3A_121, %lt3A_124 : i32
    %lt3A_126 = arith.constant 0 : i32
    %lt3A_127 = arith.cmpi slt, %select_n3A_120, %lt3A_126 : i32
    %ne3A_128 = arith.xori %lt3A_125, %lt3A_127 : i1
    %and3A_129 = arith.andi %ne3A_128, %ne3A_123 : i1
    %add3A_130 = arith.addi %rem3A_121, %select_n3A_120 : i32
    %select_n3A_131 = arith.select %and3A_129, %add3A_130, %rem3A_121 : i32
    %mul3A_132 = arith.constant 128 : i32
    %mul3A_133 = arith.muli %select_n3A_131, %mul3A_132 : i32
    %dma_wait3A_134 = arith.constant 1 : i32
    %dma_wait3A_135 = arith.constant 0 : i32
    %dma_wait3A_136 = arith.constant 0 : i32
    %dma_wait3A_137 = tpu.memref_slice %arg7[%dma_wait3A_134, %dma_wait3A_135, %dma_wait3A_136] : memref<4x128x128xf32, #tpu.memory_space<vmem>> -> memref<1x128x128xf32, #tpu.memory_space<vmem>>
    %dma_wait3A_138 = tpu.memref_squeeze %dma_wait3A_137 : memref<1x128x128xf32, #tpu.memory_space<vmem>> -> memref<128x128xf32, #tpu.memory_space<vmem>>
    %dma_wait3A_139 = arith.constant 0 : i32
    %dma_wait3A_140 = tpu.memref_slice %arg5[%select_n3A_115, %mul3A_133, %dma_wait3A_139] : memref<200x4096x128xf32, #tpu.memory_space<hbm>> -> memref<1x128x128xf32, #tpu.memory_space<hbm>>
    %dma_wait3A_141 = tpu.memref_squeeze %dma_wait3A_140 : memref<1x128x128xf32, #tpu.memory_space<hbm>> -> memref<128x128xf32, #tpu.memory_space<hbm>>
    %dma_wait3A_142 = arith.constant 0 : i32
    %dma_wait3A_143 = tpu.memref_slice %arg5[%select_n3A_115, %mul3A_133, %dma_wait3A_142] : memref<200x4096x128xf32, #tpu.memory_space<hbm>> -> memref<1x128x128xf32, #tpu.memory_space<hbm>>
    %dma_wait3A_144 = tpu.memref_squeeze %dma_wait3A_143 : memref<1x128x128xf32, #tpu.memory_space<hbm>> -> memref<128x128xf32, #tpu.memory_space<hbm>>
    %dma_wait3A_145 = arith.constant 0 : i32
    %dma_wait3A_146 = arith.constant 0 : i32
    %dma_wait3A_147 = tpu.memref_slice %arg7[%dma_wait3A_134, %dma_wait3A_145, %dma_wait3A_146] : memref<4x128x128xf32, #tpu.memory_space<vmem>> -> memref<1x128x128xf32, #tpu.memory_space<vmem>>
    %dma_wait3A_148 = tpu.memref_squeeze %dma_wait3A_147 : memref<1x128x128xf32, #tpu.memory_space<vmem>> -> memref<128x128xf32, #tpu.memory_space<vmem>>
    tpu.wait_dma2 semaphore(%arg14 : memref<!tpu.dma_semaphore, #tpu.memory_space<semaphore_mem>>) src(%dma_wait3A_148 : memref<128x128xf32, #tpu.memory_space<vmem>>) dst(%dma_wait3A_144 : memref<128x128xf32, #tpu.memory_space<hbm>>)
    %add3A_149 = arith.constant 198 : i32
    %add3A_150 = arith.addi %mul3A_2, %add3A_149 : i32
    %jit3A_151 = arith.constant 32 : i32
    %div3A_152 = arith.divsi %add3A_150, %jit3A_151 : i32
    %sign3A_153 = arith.constant 0 : i32
    %sign3A_154 = arith.cmpi sgt, %add3A_150, %sign3A_153 : i32
    %sign3A_155 = arith.extui %sign3A_154 : i1 to i32
    %sign3A_156 = arith.constant 0 : i32
    %sign3A_157 = arith.cmpi slt, %add3A_150, %sign3A_156 : i32
    %sign3A_158 = arith.extui %sign3A_157 : i1 to i32
    %sign3A_159 = arith.subi %sign3A_155, %sign3A_158 : i32
    %sign3A_160 = arith.constant 0 : i32
    %sign3A_161 = arith.cmpi sgt, %jit3A_151, %sign3A_160 : i32
    %sign3A_162 = arith.extui %sign3A_161 : i1 to i32
    %sign3A_163 = arith.constant 0 : i32
    %sign3A_164 = arith.cmpi slt, %jit3A_151, %sign3A_163 : i32
    %sign3A_165 = arith.extui %sign3A_164 : i1 to i32
    %sign3A_166 = arith.subi %sign3A_162, %sign3A_165 : i32
    %ne3A_167 = arith.cmpi ne, %sign3A_159, %sign3A_166 : i32
    %rem3A_168 = arith.remsi %add3A_150, %jit3A_151 : i32
    %ne3A_169 = arith.constant 0 : i32
    %ne3A_170 = arith.cmpi ne, %rem3A_168, %ne3A_169 : i32
    %and3A_171 = arith.andi %ne3A_167, %ne3A_170 : i1
    %sub3A_172 = arith.constant 1 : i32
    %sub3A_173 = arith.subi %div3A_152, %sub3A_172 : i32
    %select_n3A_174 = arith.select %and3A_171, %sub3A_173, %div3A_152 : i32
    %jit3A_175 = arith.constant 32 : i32
    %eq3A_176 = arith.constant 0 : i32
    %eq3A_177 = arith.cmpi eq, %jit3A_175, %eq3A_176 : i32
    %jit3A_178 = arith.constant 1 : i32
    %select_n3A_179 = arith.select %eq3A_177, %jit3A_178, %jit3A_175 : i32
    %rem3A_180 = arith.remsi %add3A_150, %select_n3A_179 : i32
    %ne3A_181 = arith.constant 0 : i32
    %ne3A_182 = arith.cmpi ne, %rem3A_180, %ne3A_181 : i32
    %lt3A_183 = arith.constant 0 : i32
    %lt3A_184 = arith.cmpi slt, %rem3A_180, %lt3A_183 : i32
    %lt3A_185 = arith.constant 0 : i32
    %lt3A_186 = arith.cmpi slt, %select_n3A_179, %lt3A_185 : i32
    %ne3A_187 = arith.xori %lt3A_184, %lt3A_186 : i1
    %and3A_188 = arith.andi %ne3A_187, %ne3A_182 : i1
    %add3A_189 = arith.addi %rem3A_180, %select_n3A_179 : i32
    %select_n3A_190 = arith.select %and3A_188, %add3A_189, %rem3A_180 : i32
    %mul3A_191 = arith.constant 128 : i32
    %mul3A_192 = arith.muli %select_n3A_190, %mul3A_191 : i32
    %dma_wait3A_193 = arith.constant 2 : i32
    %dma_wait3A_194 = arith.constant 0 : i32
    %dma_wait3A_195 = arith.constant 0 : i32
    %dma_wait3A_196 = tpu.memref_slice %arg7[%dma_wait3A_193, %dma_wait3A_194, %dma_wait3A_195] : memref<4x128x128xf32, #tpu.memory_space<vmem>> -> memref<1x128x128xf32, #tpu.memory_space<vmem>>
    %dma_wait3A_197 = tpu.memref_squeeze %dma_wait3A_196 : memref<1x128x128xf32, #tpu.memory_space<vmem>> -> memref<128x128xf32, #tpu.memory_space<vmem>>
    %dma_wait3A_198 = arith.constant 0 : i32
    %dma_wait3A_199 = tpu.memref_slice %arg5[%select_n3A_174, %mul3A_192, %dma_wait3A_198] : memref<200x4096x128xf32, #tpu.memory_space<hbm>> -> memref<1x128x128xf32, #tpu.memory_space<hbm>>
    %dma_wait3A_200 = tpu.memref_squeeze %dma_wait3A_199 : memref<1x128x128xf32, #tpu.memory_space<hbm>> -> memref<128x128xf32, #tpu.memory_space<hbm>>
    %dma_wait3A_201 = arith.constant 0 : i32
    %dma_wait3A_202 = tpu.memref_slice %arg5[%select_n3A_174, %mul3A_192, %dma_wait3A_201] : memref<200x4096x128xf32, #tpu.memory_space<hbm>> -> memref<1x128x128xf32, #tpu.memory_space<hbm>>
    %dma_wait3A_203 = tpu.memref_squeeze %dma_wait3A_202 : memref<1x128x128xf32, #tpu.memory_space<hbm>> -> memref<128x128xf32, #tpu.memory_space<hbm>>
    %dma_wait3A_204 = arith.constant 0 : i32
    %dma_wait3A_205 = arith.constant 0 : i32
    %dma_wait3A_206 = tpu.memref_slice %arg7[%dma_wait3A_193, %dma_wait3A_204, %dma_wait3A_205] : memref<4x128x128xf32, #tpu.memory_space<vmem>> -> memref<1x128x128xf32, #tpu.memory_space<vmem>>
    %dma_wait3A_207 = tpu.memref_squeeze %dma_wait3A_206 : memref<1x128x128xf32, #tpu.memory_space<vmem>> -> memref<128x128xf32, #tpu.memory_space<vmem>>
    tpu.wait_dma2 semaphore(%arg15 : memref<!tpu.dma_semaphore, #tpu.memory_space<semaphore_mem>>) src(%dma_wait3A_207 : memref<128x128xf32, #tpu.memory_space<vmem>>) dst(%dma_wait3A_203 : memref<128x128xf32, #tpu.memory_space<hbm>>)
    %add3A_208 = arith.constant 199 : i32
    %add3A_209 = arith.addi %mul3A_2, %add3A_208 : i32
    %jit3A_210 = arith.constant 32 : i32
    %div3A_211 = arith.divsi %add3A_209, %jit3A_210 : i32
    %sign3A_212 = arith.constant 0 : i32
    %sign3A_213 = arith.cmpi sgt, %add3A_209, %sign3A_212 : i32
    %sign3A_214 = arith.extui %sign3A_213 : i1 to i32
    %sign3A_215 = arith.constant 0 : i32
    %sign3A_216 = arith.cmpi slt, %add3A_209, %sign3A_215 : i32
    %sign3A_217 = arith.extui %sign3A_216 : i1 to i32
    %sign3A_218 = arith.subi %sign3A_214, %sign3A_217 : i32
    %sign3A_219 = arith.constant 0 : i32
    %sign3A_220 = arith.cmpi sgt, %jit3A_210, %sign3A_219 : i32
    %sign3A_221 = arith.extui %sign3A_220 : i1 to i32
    %sign3A_222 = arith.constant 0 : i32
    %sign3A_223 = arith.cmpi slt, %jit3A_210, %sign3A_222 : i32
    %sign3A_224 = arith.extui %sign3A_223 : i1 to i32
    %sign3A_225 = arith.subi %sign3A_221, %sign3A_224 : i32
    %ne3A_226 = arith.cmpi ne, %sign3A_218, %sign3A_225 : i32
    %rem3A_227 = arith.remsi %add3A_209, %jit3A_210 : i32
    %ne3A_228 = arith.constant 0 : i32
    %ne3A_229 = arith.cmpi ne, %rem3A_227, %ne3A_228 : i32
    %and3A_230 = arith.andi %ne3A_226, %ne3A_229 : i1
    %sub3A_231 = arith.constant 1 : i32
    %sub3A_232 = arith.subi %div3A_211, %sub3A_231 : i32
    %select_n3A_233 = arith.select %and3A_230, %sub3A_232, %div3A_211 : i32
    %jit3A_234 = arith.constant 32 : i32
    %eq3A_235 = arith.constant 0 : i32
    %eq3A_236 = arith.cmpi eq, %jit3A_234, %eq3A_235 : i32
    %jit3A_237 = arith.constant 1 : i32
    %select_n3A_238 = arith.select %eq3A_236, %jit3A_237, %jit3A_234 : i32
    %rem3A_239 = arith.remsi %add3A_209, %select_n3A_238 : i32
    %ne3A_240 = arith.constant 0 : i32
    %ne3A_241 = arith.cmpi ne, %rem3A_239, %ne3A_240 : i32
    %lt3A_242 = arith.constant 0 : i32
    %lt3A_243 = arith.cmpi slt, %rem3A_239, %lt3A_242 : i32
    %lt3A_244 = arith.constant 0 : i32
    %lt3A_245 = arith.cmpi slt, %select_n3A_238, %lt3A_244 : i32
    %ne3A_246 = arith.xori %lt3A_243, %lt3A_245 : i1
    %and3A_247 = arith.andi %ne3A_246, %ne3A_241 : i1
    %add3A_248 = arith.addi %rem3A_239, %select_n3A_238 : i32
    %select_n3A_249 = arith.select %and3A_247, %add3A_248, %rem3A_239 : i32
    %mul3A_250 = arith.constant 128 : i32
    %mul3A_251 = arith.muli %select_n3A_249, %mul3A_250 : i32
    %dma_wait3A_252 = arith.constant 3 : i32
    %dma_wait3A_253 = arith.constant 0 : i32
    %dma_wait3A_254 = arith.constant 0 : i32
    %dma_wait3A_255 = tpu.memref_slice %arg7[%dma_wait3A_252, %dma_wait3A_253, %dma_wait3A_254] : memref<4x128x128xf32, #tpu.memory_space<vmem>> -> memref<1x128x128xf32, #tpu.memory_space<vmem>>
    %dma_wait3A_256 = tpu.memref_squeeze %dma_wait3A_255 : memref<1x128x128xf32, #tpu.memory_space<vmem>> -> memref<128x128xf32, #tpu.memory_space<vmem>>
    %dma_wait3A_257 = arith.constant 0 : i32
    %dma_wait3A_258 = tpu.memref_slice %arg5[%select_n3A_233, %mul3A_251, %dma_wait3A_257] : memref<200x4096x128xf32, #tpu.memory_space<hbm>> -> memref<1x128x128xf32, #tpu.memory_space<hbm>>
    %dma_wait3A_259 = tpu.memref_squeeze %dma_wait3A_258 : memref<1x128x128xf32, #tpu.memory_space<hbm>> -> memref<128x128xf32, #tpu.memory_space<hbm>>
    %dma_wait3A_260 = arith.constant 0 : i32
    %dma_wait3A_261 = tpu.memref_slice %arg5[%select_n3A_233, %mul3A_251, %dma_wait3A_260] : memref<200x4096x128xf32, #tpu.memory_space<hbm>> -> memref<1x128x128xf32, #tpu.memory_space<hbm>>
    %dma_wait3A_262 = tpu.memref_squeeze %dma_wait3A_261 : memref<1x128x128xf32, #tpu.memory_space<hbm>> -> memref<128x128xf32, #tpu.memory_space<hbm>>
    %dma_wait3A_263 = arith.constant 0 : i32
    %dma_wait3A_264 = arith.constant 0 : i32
    %dma_wait3A_265 = tpu.memref_slice %arg7[%dma_wait3A_252, %dma_wait3A_263, %dma_wait3A_264] : memref<4x128x128xf32, #tpu.memory_space<vmem>> -> memref<1x128x128xf32, #tpu.memory_space<vmem>>
    %dma_wait3A_266 = tpu.memref_squeeze %dma_wait3A_265 : memref<1x128x128xf32, #tpu.memory_space<vmem>> -> memref<128x128xf32, #tpu.memory_space<vmem>>
    tpu.wait_dma2 semaphore(%arg16 : memref<!tpu.dma_semaphore, #tpu.memory_space<semaphore_mem>>) src(%dma_wait3A_266 : memref<128x128xf32, #tpu.memory_space<vmem>>) dst(%dma_wait3A_262 : memref<128x128xf32, #tpu.memory_space<hbm>>)
    return
  }
}

</mosaic_0001>

<sc_bundles>
// kernel: _sc_lookup.3.cloned.1.call-start
scs
__scs_entry_jumppad:
0x0: {  	(pc) =	sbr.rel $0x88, $3  }
0x1: {  	(tag) =	ssettag $0x0;
	lr =	simm.s32 $0x1  }
0x2: {  	[smem:$0x3F9E] =	sst lr;
	_ =	strace $0xD0000000  }
0x3: {  	_ = 	snop  }
0x4: {  	_ = 	snop  }
0x5: {  	_ = 	snop  }
0x6: {  	_ = 	snop  }
0x7: {  	_ = 	snop  }
__scs_overlays_trampoline_lowered:
0x8: {  	[smem:$0x3FAD] =	sst s0  }
0x9: {  	[smem:$0x3FAE] =	sst s1  }
0xa: {  	[smem:$0x3FAF] =	sst s2  }
0xb: {  	[smem:$0x3FB0] =	sst s3  }
0xc: {  	[smem:$0x3FB1] =	sst s4  }
0xd: {  	[smem:$0x3FB2] =	sst s5  }
0xe: {  	[smem:$0x3FB3] =	sst s6  }
0xf: {  	[smem:$0x3FB4] =	sst s7  }
0x10: {  	[smem:$0x3FB5] =	sst s8  }
0x11: {  	[smem:$0x3FB6] =	sst s9;
	s0 =	simm.s32 @!p0 $0x0  }
0x12: {  	s1 =	sld [smem:$0x3F9C];
	s0 =	simm.s32 @p0 $0x1  }
0x13: {  	[smem:$0x3FB7] =	sst s0;
	s0 =	simm.s32 @!p1 $0x0  }
0x14: {  	s2 =	sld [smem:$0x3F9B];
	s0 =	simm.s32 @p1 $0x1  }
0x15: {  	[smem:$0x3FB8] =	sst s0;
	s0 =	simm.s32 @!p2 $0x0  }
0x16: {  	s3 =	sld [smem:$0x3FDB];
	s0 =	simm.s32 @p2 $0x1  }
0x17: {  	s4 =	simm.s32 $0x1BF5;
	[smem:$0x3FBA] =	sst s0  }
0x18: {  	s0 =	sld [smem:$0x3F9D];
	_ =	swait.ge [sflag:s4], $0x0  }
0x19: {  	s7 =	sld [smem:$0x3F9E]  }
0x1a: {  	s8 =	sadd.s32 $0xFFFFE003, lr  }
0x1b: {  	s9 =	sadd.s32 $0xFFFFFEF7, lr;
	s5 =	simm.s32 $0xFFFFFFFF;
	p2 =	slt.u32 s8, $0xFFFFF086  }
0x1c: {  	p1 =	slt.u32 s9, $0xF7A;
	s5 =	simm.s32 @!p2 $0x0  }
0x1d: {  	s5 =	simm.s32 @p1 $0x1;
	p0 =	seq.s32 s7, s2  }
0x1e: {  	s7 =	smul.u32 @!p0 $0xF7A, s2;
	p2 =	seq.s32 @!p0 s5, $0x0  }
0x1f: {  	s9 =	smul.u32 $0xF7A, s1;
	s8 =	simm.s32 @!p0 $0x1BF5;
	p2 =	por !p2, p0  }
0x20: {  	[sflag:s8] =	ssyncset.s32 @!p0 $0xFFFFF086;
	s6 =	sadd.s32 @!p0 s3, s7;
	s7 =	simm.s32 @!p0 $0x108  }
0x21: {  	s3 =	sadd.s32 s3, s9;
	s6 =	sadd.s32 @!p0 $0x88, s6;
	s7 =	simm.s32 @p2 $0x1082  }
0x22: {  	[simem:s7], [sflag:s8] =	dma.local @!p0 [hbm:s6], $0xF7A  }
0x23: {  	s9 =	sor.u32 $0xD0000000, s2;
	s6 =	simm.s32 $0x108;
	_ =	swait.ge @!p0 [sflag:s8], $0x0  }
0x24: {  	s3 =	sadd.s32 $0x88, s3;
	s6 =	simm.s32 @!p1 $0x1082;
	[sflag:s4] =	ssyncset.s32 $0xFFFFF086  }
0x25: {  	[simem:s6], [sflag:s4] =	dma.local [hbm:s3], $0xF7A  }
0x26: {  	[smem:$0x3F9E] =	sst s1;
	(tag) =	ssettag s2;
	_ =	strace s9  }
0x27: {  	s1 =	sld [smem:$0x3FAE]  }
0x28: {  	s2 =	sld [smem:$0x3FAF]  }
0x29: {  	s4 =	sld [smem:$0x3FB1]  }
0x2a: {  	p0 =	seq.s32 s5, $0x0;
	s5 =	sld [smem:$0x3FB2]  }
0x2b: {  	s6 =	sld [smem:$0x3FB3]  }
0x2c: {  	s7 =	sld [smem:$0x3FB4]  }
0x2d: {  	s3 =	simm.s32 $0x108;
	s8 =	sld [smem:$0x3FB5]  }
0x2e: {  	s3 =	simm.s32 @!p0 $0x1082;
	s9 =	sld [smem:$0x3FB6]  }
0x2f: {  	lr =	sadd.s32 s0, s3;
	s0 =	sld [smem:$0x3FAD]  }
0x30: {  	s3 =	sld [smem:$0x3FB0]  }
0x31: {  	[smem:$0x3FB9] =	sst s10  }
0x32: {  	s10 =	sld [smem:$0x3FB7];
	_ =	sdelay $0x3  }
0x33: {  	p0 =	seq.s32 s10, $0x1;
	s10 =	sld [smem:$0x3FB9];
	_ =	sdelay $0x3  }
0x34: {  	[smem:$0x3FB9] =	sst s10  }
0x35: {  	s10 =	sld [smem:$0x3FB8];
	_ =	sdelay $0x3  }
0x36: {  	p1 =	seq.s32 s10, $0x1;
	s10 =	sld [smem:$0x3FB9];
	_ =	sdelay $0x3  }
0x37: {  	[smem:$0x3FB9] =	sst s10  }
0x38: {  	s10 =	sld [smem:$0x3FBA]  }
0x39: {  	_ = 	snop;
	(pc) =	sbr.ind lr, $3  }
0x3a: {  	_ = 	snop  }
0x3b: {  	_ = 	snop  }
0x3c: {  	p2 =	seq.s32 s10, $0x1;
	s10 =	sld [smem:$0x3FB9]  }
0x3d: {  	_ =	shalt  }
0x3e: {  	_ =	shalt  }
0x3f: {  	_ =	shalt  }
0x40: {  	_ =	shalt  }
0x41: {  	_ =	shalt  }
0x42: {  	_ =	shalt  }
0x43: {  	_ =	shalt  }
0x44: {  	_ =	shalt  }
0x45: {  	_ =	shalt  }
0x46: {  	_ =	shalt  }
0x47: {  	_ =	shalt  }
0x48: {  	_ =	shalt  }
0x49: {  	_ =	shalt  }
0x4a: {  	_ =	shalt  }
0x4b: {  	_ =	shalt  }
0x4c: {  	_ =	shalt  }
0x4d: {  	_ =	shalt  }
0x4e: {  	_ =	shalt  }
0x4f: {  	_ =	shalt  }
0x50: {  	_ =	shalt  }
0x51: {  	_ =	shalt  }
0x52: {  	_ =	shalt  }
0x53: {  	_ =	shalt  }
0x54: {  	_ =	shalt  }
0x55: {  	_ =	shalt  }
0x56: {  	_ =	shalt  }
0x57: {  	_ =	shalt  }
0x58: {  	_ =	shalt  }
0x59: {  	_ =	shalt  }
0x5a: {  	_ =	shalt  }
0x5b: {  	_ =	shalt  }
0x5c: {  	_ =	shalt  }
0x5d: {  	_ =	shalt  }
0x5e: {  	_ =	shalt  }
0x5f: {  	_ =	shalt  }
0x60: {  	_ =	shalt  }
0x61: {  	_ =	shalt  }
0x62: {  	_ =	shalt  }
0x63: {  	_ =	shalt  }
0x64: {  	_ =	shalt  }
0x65: {  	_ =	shalt  }
0x66: {  	_ =	shalt  }
0x67: {  	_ =	shalt  }
0x68: {  	_ =	shalt  }
0x69: {  	_ =	shalt  }
0x6a: {  	_ =	shalt  }
0x6b: {  	_ =	shalt  }
0x6c: {  	_ =	shalt  }
0x6d: {  	_ =	shalt  }
0x6e: {  	_ =	shalt  }
0x6f: {  	_ =	shalt  }
0x70: {  	_ =	shalt  }
0x71: {  	_ =	shalt  }
0x72: {  	_ =	shalt  }
0x73: {  	_ =	shalt  }
0x74: {  	_ =	shalt  }
0x75: {  	_ =	shalt  }
0x76: {  	_ =	shalt  }
0x77: {  	_ =	shalt  }
0x78: {  	_ =	shalt  }
0x79: {  	_ =	shalt  }
0x7a: {  	_ =	shalt  }
0x7b: {  	_ =	shalt  }
0x7c: {  	_ =	shalt  }
0x7d: {  	_ =	shalt  }
0x7e: {  	_ =	shalt  }
0x7f: {  	_ =	shalt  }
0x80: {  	_ =	shalt  }
0x81: {  	_ =	shalt  }
0x82: {  	_ =	shalt  }
0x83: {  	_ =	shalt  }
0x84: {  	_ =	shalt  }
0x85: {  	_ =	shalt  }
0x86: {  	_ =	shalt  }
0x87: {  	_ =	shalt  }
.Lfunc_end0:
.L_simem_size_0:
called_computation_lowered:
.L_overlay_start_0:
0x88: {  	s2 =	sld [smem:$0x3FD9]  }
0x89: {  	s3 =	sld [smem:$0x3FFE];
	_ =	sdelay $0x1  }
0x8a: {  	s1 =	srdreg.scid  }
0x8b: {  	s0 =	sand.u32 $0x1, s1  }
0x8c: {  	s17 =	sshll.u32 s0, $0xA;
	s2 =	sadd.s32 s3, s2  }
0x8d: {  	s2 =	sadd.s32 s2, s17  }
0x8e: {  	[smem:$0x3FC5] =	sst s2  }
0x8f: {  	_ = 	snop  }
0x90: {  	s2 =	sld [smem:$0x3FC9]  }
0x91: {  	s18 =	sld [smem:$0x3FC8]  }
0x92: {  	s4 =	sld [smem:$0x3FD0];
	(tm) =	ssettm $0x1  }
0x93: {  	s5 =	sld [smem:$0x3FFB];
	_ =	sdelay $0x3  }
0x94: {  	_ =	strace s5  }
0x95: {  	s5 =	sld [smem:$0x3FFC];
	_ =	sdelay $0x3  }
0x96: {  	_ =	strace s5  }
0x97: {  	s5 =	sld [smem:$0x3FFD];
	_ =	sdelay $0x3  }
0x98: {  	_ =	strace s5  }
0x99: {  	_ =	strace $0x8FFFFFFF  }
0x9a: {  	s19 =	sld [smem:$0x3FDB];
	_ =	sdelay $0x1  }
0x9b: {  	s6 =	simm.s32 $_scs_section_size  }
0x9c: {  	s7 =	simm.s32 $_size__tile_overlayer_lowered;
	s8 =	simm.s32 $_tile_overlayer_lowered  }
0x9d: {  	s22 =	simm.s32 $0x1BFF;
	s21 =	sshll.u32 s8, $0x1;
	s5 =	sadd.s32 s6, s19  }
0x9e: {  	s9 =	simm.s32 $0x0;
	s20 =	sshll.u32 s7, $0x1;
	s7 =	sadd.s32 s21, s5  }
0x9f: {  	[timem:s9], [sflag:s22] =	dma.local [hbm:s7], s20  }
0xa0: {  	_ =	swait.ge [sflag:s22], s20  }
0xa1: {  	s6 =	ssub.s32 $0x0, s20;
	[sflag:s22] =	ssyncset.done $0x0  }
0xa2: {  	[sflag:s22] =	ssyncadd.s32 s6;
	_ =	sdelay $0x1  }
0xa3: {  	s23 =	simm.s32 $0x1B8B  }
0xa4: {  	_ =	swait.ge [sflag:s23], $0x1  }
0xa5: {  	[sflag:s23] =	ssyncset.done $0x0  }
0xa6: {  	s25 =	simm.s32 $0x1B8E;
	s24 =	sld [smem:$0x3FFE];
	[sflag:s23] =	ssyncadd.s32 $0xFFFFFFFF  }
0xa7: {  	s26 =	simm.s32 $execute0_lowered;
	[smem:$0x3FD2] =	sst s25  }
0xa8: {  	s7 =	sshll.u32 s26, $0x1;
	_ =	strace $0x80000046;
	[dreg:$0x1] =	wrdreg $0xFFFFFFFF  }
0xa9: {  	s28 =	simm.s32 $_size_execute0_lowered;
	s5 =	sadd.s32 s5, s7;
	[dreg:$0x0] =	wrdreg $0x0  }
0xaa: {  	s7 =	sshll.u32 s28, $0x1;
	[dreg:$0x2] =	wrdreg s5  }
0xab: {  	[dreg:$0x3] =	wrdreg s7  }
0xac: {  	[dreg:$0x4] =	wrdreg $0xC0  }
0xad: {  	_ =	task [dreg:s9], $0x5FFFF  }
0xae: {  	[dreg:$0x1] =	wrdreg $0xFFFFFFFF  }
0xaf: {  	[dreg:$0x0] =	wrdreg $0x60  }
0xb0: {  	[dreg:$0x2] =	wrdreg s2  }
0xb1: {  	[dreg:$0x3] =	wrdreg s18  }
0xb2: {  	[dreg:$0x4] =	wrdreg s24  }
0xb3: {  	[dreg:$0x5] =	wrdreg s4  }
0xb4: {  	[dreg:$0x6] =	wrdreg $0x9  }
0xb5: {  	_ =	task.clear_ibuf [dreg:s9], $0x7FFFF;
	_ =	strace $0x90000046  }
0xb6: {  	s29 =	simm.s32 $0x9;
	_ =	strace $0x80000048  }
0xb7: {  	_ =	swait.ge [sflag:s29], $0x1  }
0xb8: {  	[sflag:s29] =	ssyncadd.s32 $0xFFFFFFFF  }
0xb9: {  	_ =	strace $0x90000048  }
0xba: {  	_ =	sfence  }
0xbb: {  	s30 =	sld [smem:$0x0];
	_ =	sdelay $0x2  }
0xbc: {  	s31 =	sshll.u32 s1, $0xD;
	s1 =	sshrl.u32 s1, $0x2  }
0xbd: {  	s3 =	sand.u32 $0x4000, s31;
	s1 =	sadd.s32 s1, s30  }
0xbe: {  	s0 =	sor.u32 s3, s0;
	s1 =	sshll.u32 s1, $0x11  }
0xbf: {  	s0 =	sor.u32 s1, s0  }
0xc0: {  	s0 =	sadd.s32 $0x8F2B, s0  }
0xc1: {  	[sflag:s0] =	ssyncadd.remote.s32 $0x1  }
0xc2: {  	_ =	sfence.sel $0xFFFF  }
0xc3: {  	[dreg:$0x0] =	wrdreg $0xFFFFFFFF;
	(pc) =	sbr.abs _section_cstart, $3  }
0xc4: {  	[dreg:$0x1] =	wrdreg $0xFFFFFFFF  }
0xc5: {  	_ =	task.clear_ibuf [dreg:s9], $0x2FFFF;
	_ =	strace $0x9FFFFFFF  }
0xc6: {  	(tm) =	ssettm $0x7FFFFFFF  }
0xc7: {  	_ =	shalt  }
tec
execute0_lowered:
.L_overlay_start_1:
0x0: {  	(tag) =	ssettag $0x1  }
0x1: {  	s1 =	rddreg [dreg:$0x0]  }
0x2: {  	s0 =	rddreg [dreg:$0x1]  }
0x3: {  	s2 =	rddreg [dreg:$0x2]  }
0x4: {  	s4 =	srdreg.scid;
	s6 =	stileid.u32  }
0x5: {  	s3 =	rddreg [dreg:$0x3];
	s10 =	simm.s32 $0x9;
	s11 =	simm.s32 $0x80  }
0x6: {  	s12 =	simm.s32 $0x6400;
	s13 =	simm.s32 $0xA400;
	s15 =	simm.s32 $0xE400  }
0x7: {  	s16 =	simm.s32 $0x12400;
	s17 =	simm.s32 $0x1;
	s18 =	simm.s32 $0x2  }
0x8: {  	s19 =	simm.s32 $0x3;
	s20 =	simm.s32 $0x4;
	s21 =	simm.s32 $0x5  }
0x9: {  	s22 =	simm.s32 $0x6;
	s23 =	simm.s32 $0x7;
	s24 =	simm.s32 $0x8  }
0xa: {  	s25 =	simm.s32 $0x0;
	s5 =	sand.u32 $0x1, s4;
	s6 =	sshll.u32 s6, $0x1  }
0xb: {  	s4 =	simm.s32 $0x0;
	s6 =	sor.u32 s5, s6;
	s7 =	ssub.s32 $0x2, s5  }
0xc: {  	[smem:$0x7FF] =	sst s4;
	s8 =	smul.u32 $0xC80, s6;
	s31 =	sshrl.u32 s7, $0x1  }
0xd: {  	s5 =	sadd.s32 $0x400, s2;
	_ =	strace $0x80000047;
	s2 =	ssub.s32 s7, s31  }
0xe: {  	s6 =	smul.u32 $0xC8, s6;
	s7 =	sadd.s32 s0, s8;
	s8 =	smax.u32 s2, $0x1  }
.LBB2_1:
0xf: {  	s0 =	simm.s32 $0x16400  }
0x10: {  	[tilespmem:s0], [sflag:$0x9] =	stream.linear.gather [hbm4b:s5+s4], $0x6400, $0x38;
	[tilespmem:$0x1C800] =	vst v63  }
0x11: {  	_ =	swait.ge [sflag:s10], $0x6400  }
0x12: {  	[sflag:s10] =	ssyncset.done $0x0  }
0x13: {  	[sflag:s10] =	ssyncadd.s32 $0xFFFF9C00  }
0x14: {  	[tilespmem:s4], [sflag:$0x9] =	stream.linear.gather [hbm4b:s7+s4], $0x6400, $0x38;
	[tilespmem:$0x1C800] =	vst v63  }
0x15: {  	_ =	swait.ge [sflag:s10], $0x6400  }
0x16: {  	[sflag:s10] =	ssyncset.done $0x0  }
0x17: {  	[sflag:s10] =	ssyncadd.s32 $0xFFFF9C00  }
0x18: {  	[tilespmem:s12], [sflag:$0x1] =	stream.indirect.gather [hbm4b:s1+s11], $0x80, s4, s11, $0xb8;
	[tilespmem:$0x1C800] =	vst v63  }
0x19: {  	_ = 	snop  }
0x1a: {  	[tilespmem:s13], [sflag:$0x2] =	stream.indirect.gather [hbm4b:s1+s11], $0x80, s11, s11, $0xb8;
	[tilespmem:$0x1C800] =	vst v63  }
0x1b: {  	s31 =	simm.s32 $0x100;
	s26 =	simm.s32 $0x0  }
0x1c: {  	[tilespmem:s15], [sflag:$0x3] =	stream.indirect.gather [hbm4b:s1+s11], $0x80, s31, s11, $0xb8;
	[tilespmem:$0x1C800] =	vst v63  }
.LBB2_2:
0x1d: {  	p0 =	seq.s32 s26, $0x0  }
0x1e: {  	s0 =	simm.s32 @!p0 $0x8  }
0x1f: {  	s28 =	sshllo.u32 s26, $0x2;
	_ =	swait.ge @!p0 [sflag:s0], $0x4000  }
0x20: {  	s2 =	sshll.u32 s28, $0x7;
	[sflag:s0] =	ssyncset.done @!p0 $0x0  }
0x21: {  	s29 =	sshll.u32 s26, $0x2;
	s9 =	sand.u32 $0x3FFFFF80, s2;
	[sflag:s0] =	ssyncadd.s32 @!p0 $0xFFFFC000  }
0x22: {  	[tilespmem:s16], [sflag:$0x4] =	stream.indirect.gather [hbm4b:s1+s11], $0x80, s9, s11, $0xb8;
	[tilespmem:$0x1C800] =	vst v63  }
0x23: {  	s30 =	sadd.s32 s6, s29;
	_ =	swait.ge [sflag:s17], $0x4000  }
0x24: {  	s14 =	sshll.u32 s30, $0x2;
	[sflag:s17] =	ssyncset.done $0x0  }
0x25: {  	s0 =	sand.u32 $0x3FFFFF80, s14;
	[sflag:s17] =	ssyncadd.s32 $0xFFFFC000  }
0x26: {  	v0 =	vld [tilespmem:s0+$0x16400]  }
0x27: {  	v2 =	vld [tilespmem:s0+$0x16410]  }
0x28: {  	v1 =	vld [tilespmem:s0+$0x16420]  }
0x29: {  	s31 =	simm.s32 $0x6500;
	v3 =	vld [tilespmem:s0+$0x16430]  }
0x2a: {  	v4 =	vld [tilespmem:s31+$0xB0]  }
0x2b: {  	v5 =	vld [tilespmem:s31+$0xFFFFFF10]  }
0x2c: {  	v6 =	vld [tilespmem:s31+$0xFFFFFF20]  }
0x2d: {  	v7 =	vld [tilespmem:s31+$0xFFFFFF30]  }
0x2e: {  	v8 =	vld [tilespmem:s31+$0xFFFFFF80]  }
0x2f: {  	v9 =	vld [tilespmem:s31+$0xFFFFFF90];
	v4 =	vadd.f32 v4, v3  }
0x30: {  	v10 =	vld [tilespmem:s31+$0xFFFFFFA0];
	v5 =	vadd.f32 v5, v2  }
0x31: {  	v11 =	vld [tilespmem:s31+$0xFFFFFFB0];
	v6 =	vadd.f32 v6, v1;
	[tilespmem:s31+$0xB0] =	vst v4  }
0x32: {  	[tilespmem:s31+$0xFFFFFF10] =	vst v5;
	v4 =	vadd.f32 v7, v3;
	v7 =	vld [tilespmem:s31+$0x0]  }
0x33: {  	[tilespmem:s31+$0xFFFFFF20] =	vst v6;
	v5 =	vadd.f32 v8, v0;
	v8 =	vld [tilespmem:s31+$0x10]  }
0x34: {  	v12 =	vld [tilespmem:s31+$0x20];
	v6 =	vadd.f32 v9, v2;
	[tilespmem:s31+$0xFFFFFF30] =	vst v4  }
0x35: {  	v9 =	vadd.f32 v10, v1;
	[tilespmem:s31+$0xFFFFFF80] =	vst v5;
	v4 =	vld [tilespmem:s31+$0x30]  }
0x36: {  	v10 =	vadd.f32 v11, v3;
	[tilespmem:s31+$0xFFFFFF90] =	vst v6;
	v5 =	vld [tilespmem:s31+$0x80]  }
0x37: {  	[tilespmem:s31+$0xFFFFFFA0] =	vst v9;
	v6 =	vld [tilespmem:s31+$0x90];
	v11 =	vadd.f32 v7, v0  }
0x38: {  	[tilespmem:s31+$0xFFFFFFB0] =	vst v10;
	v7 =	vld [tilespmem:s31+$0xA0];
	v9 =	vadd.f32 v8, v2  }
0x39: {  	s2 =	sshrl.u32 s30, $0x5;
	s9 =	simm.s32 $0x6700;
	s0 =	simm.s32 $0x0;
	v10 =	vadd.f32 v12, v1;
	v8 =	vld [tilespmem:s31+$0xFFFFFF00];
	[tilespmem:s31+$0x0] =	vst v11  }
.LBB2_3:
0x3a: {  	v11 =	vld [tilespmem:s9+$0xB0];
	s0 =	sadd.s32 $0x4, s0;
	[tilespmem:s31+$0x10] =	vst v9;
	v4 =	vadd.f32 v4, v3  }
0x3b: {  	v9 =	vld [tilespmem:s9+$0xFFFFFF10];
	p0 =	slt.u32 s0, $0x7C;
	[tilespmem:s31+$0x20] =	vst v10;
	v5 =	vadd.f32 v5, v0  }
0x3c: {  	v10 =	vld [tilespmem:s9+$0xFFFFFF20];
	[tilespmem:s31+$0x30] =	vst v4;
	v4 =	vadd.f32 v6, v2  }
0x3d: {  	v6 =	vld [tilespmem:s9+$0xFFFFFF30];
	[tilespmem:s31+$0x80] =	vst v5;
	v5 =	vadd.f32 v7, v1  }
0x3e: {  	v7 =	vld [tilespmem:s9+$0xFFFFFF80];
	v8 =	vadd.f32 v8, v0;
	[tilespmem:s31+$0x90] =	vst v4  }
0x3f: {  	v4 =	vld [tilespmem:s9+$0xFFFFFF90];
	v11 =	vadd.f32 v11, v3;
	[tilespmem:s31+$0xA0] =	vst v5  }
0x40: {  	v5 =	vadd.f32 v9, v2;
	v9 =	vld [tilespmem:s9+$0xFFFFFFA0];
	[tilespmem:s31+$0xFFFFFF00] =	vst v8;
	s31 =	smov.u32 s9  }
0x41: {  	v8 =	vadd.f32 v10, v1;
	v10 =	vld [tilespmem:s9+$0xFFFFFFB0];
	[tilespmem:s9+$0xB0] =	vst v11  }
0x42: {  	[tilespmem:s9+$0xFFFFFF10] =	vst v5;
	v5 =	vadd.f32 v6, v3;
	v6 =	vld [tilespmem:s9+$0x0]  }
0x43: {  	[tilespmem:s9+$0xFFFFFF20] =	vst v8;
	v7 =	vadd.f32 v7, v0;
	v8 =	vld [tilespmem:s9+$0x10]  }
0x44: {  	[tilespmem:s9+$0xFFFFFF30] =	vst v5;
	v5 =	vadd.f32 v4, v2;
	v11 =	vld [tilespmem:s9+$0x20]  }
.Ltmp0:
0x45: {  	[tilespmem:s9+$0xFFFFFF80] =	vst v7;
	v7 =	vadd.f32 v9, v1;
	v4 =	vld [tilespmem:s9+$0x30];
	(pc) =	sbr.rel @p0 .LBB2_3-.Ltmp0, $4  }
0x46: {  	[tilespmem:s9+$0xFFFFFF90] =	vst v5;
	v9 =	vadd.f32 v10, v3;
	v5 =	vld [tilespmem:s9+$0x80]  }
0x47: {  	[tilespmem:s9+$0xFFFFFFA0] =	vst v7;
	v10 =	vadd.f32 v6, v0;
	v6 =	vld [tilespmem:s9+$0x90]  }
0x48: {  	[tilespmem:s9+$0xFFFFFFB0] =	vst v9;
	v9 =	vadd.f32 v8, v2;
	v7 =	vld [tilespmem:s9+$0xA0]  }
0x49: {  	s9 =	sadd.s32 $0x200, s9;
	v8 =	vld [tilespmem:s31+$0xFFFFFF00];
	[tilespmem:s31+$0x0] =	vst v10;
	v10 =	vadd.f32 v11, v1  }
0x4a: {  	[tilespmem:s31+$0x10] =	vst v9;
	v3 =	vadd.f32 v4, v3  }
0x4b: {  	[tilespmem:s31+$0x20] =	vst v10;
	v4 =	vadd.f32 v5, v0  }
0x4c: {  	[tilespmem:s31+$0x30] =	vst v3;
	v2 =	vadd.f32 v6, v2  }
0x4d: {  	s0 =	sshll.u32 s30, $0xB;
	[tilespmem:s31+$0x80] =	vst v4;
	v1 =	vadd.f32 v7, v1  }
0x4e: {  	s0 =	sand.u32 $0xE000, s0;
	v0 =	vadd.f32 v8, v0;
	[tilespmem:s31+$0x90] =	vst v2  }
0x4f: {  	s2 =	sshll.u32 s2, $0x10;
	s0 =	sadd.s32 s3, s0;
	[tilespmem:s31+$0xA0] =	vst v1  }
0x50: {  	p0 =	seq.s32 s26, $0x31;
	s0 =	sadd.s32 s2, s0;
	[tilespmem:s31+$0xFFFFFF00] =	vst v0  }
0x51: {  	[hbm4b:s0+s4] =	stream.linear.scatter [tilespmem:s12], [sflag:$0x5], $0x4000, $0x38;
	[tilespmem:$0x1C800] =	vst v63  }
0x52: {  	s0 =	simm.s32 @!p0 $0x5  }
0x53: {  	s9 =	sor.u32 $0x1, s29;
	s2 =	sshll.u32 @!p0 s26, $0x9;
	_ =	swait.ge @!p0 [sflag:s0], $0x4000  }
0x54: {  	s14 =	simm.s32 @!p0 $0x6400;
	s30 =	sand.u32 @!p0 $0x3FFFFE00, s2;
	[sflag:s0] =	ssyncset.done @!p0 $0x0  }
0x55: {  	s2 =	simm.s32 @!p0 $0x80;
	[sflag:s0] =	ssyncadd.s32 @!p0 $0xFFFFC000;
	s0 =	sadd.s32 @!p0 $0x200, s30  }
0x56: {  	[tilespmem:s14], [sflag:$0x1] =	stream.indirect.gather @!p0 [hbm4b:s1+s2], $0x80, s0, s2, $0xb8;
	[tilespmem:$0x1C800] =	vst v63  }
0x57: {  	s31 =	sadd.s32 s6, s9;
	_ =	swait.ge [sflag:s18], $0x4000  }
0x58: {  	s14 =	sshll.u32 s31, $0x2;
	[sflag:s18] =	ssyncset.done $0x0  }
0x59: {  	s0 =	sand.u32 $0x3FFFFF80, s14;
	[sflag:s18] =	ssyncadd.s32 $0xFFFFC000  }
0x5a: {  	v0 =	vld [tilespmem:s0+$0x16400]  }
0x5b: {  	v2 =	vld [tilespmem:s0+$0x16410]  }
0x5c: {  	v1 =	vld [tilespmem:s0+$0x16420]  }
0x5d: {  	s2 =	simm.s32 $0xA400;
	v3 =	vld [tilespmem:s0+$0x16430]  }
0x5e: {  	v4 =	vld [tilespmem:s2+$0x1B0]  }
0x5f: {  	v5 =	vld [tilespmem:s2+$0x10]  }
0x60: {  	v6 =	vld [tilespmem:s2+$0x20]  }
0x61: {  	v7 =	vld [tilespmem:s2+$0x30]  }
0x62: {  	v8 =	vld [tilespmem:s2+$0x80]  }
0x63: {  	v9 =	vld [tilespmem:s2+$0x90];
	v4 =	vadd.f32 v4, v3  }
0x64: {  	v10 =	vld [tilespmem:s2+$0xA0];
	v5 =	vadd.f32 v5, v2  }
0x65: {  	v11 =	vld [tilespmem:s2+$0xB0];
	v6 =	vadd.f32 v6, v1;
	[tilespmem:s2+$0x1B0] =	vst v4  }
0x66: {  	[tilespmem:s2+$0x10] =	vst v5;
	v4 =	vadd.f32 v7, v3;
	v7 =	vld [tilespmem:s2+$0x100]  }
0x67: {  	[tilespmem:s2+$0x20] =	vst v6;
	v5 =	vadd.f32 v8, v0;
	v8 =	vld [tilespmem:s2+$0x110]  }
0x68: {  	v12 =	vld [tilespmem:s2+$0x120];
	v6 =	vadd.f32 v9, v2;
	[tilespmem:s2+$0x30] =	vst v4  }
0x69: {  	v9 =	vadd.f32 v10, v1;
	[tilespmem:s2+$0x80] =	vst v5;
	v4 =	vld [tilespmem:s2+$0x130]  }
0x6a: {  	v10 =	vadd.f32 v11, v3;
	[tilespmem:s2+$0x90] =	vst v6;
	v5 =	vld [tilespmem:s2+$0x180]  }
0x6b: {  	[tilespmem:s2+$0xA0] =	vst v9;
	v6 =	vld [tilespmem:s2+$0x190];
	v11 =	vadd.f32 v7, v0  }
0x6c: {  	[tilespmem:s2+$0xB0] =	vst v10;
	v7 =	vld [tilespmem:s2+$0x1A0];
	v9 =	vadd.f32 v8, v2  }
0x6d: {  	s9 =	simm.s32 $0x0;
	s14 =	simm.s32 $0xA600;
	s0 =	sshrl.u32 s31, $0x5;
	v10 =	vadd.f32 v12, v1;
	v8 =	vld [tilespmem:s2+$0x0];
	[tilespmem:s2+$0x100] =	vst v11  }
.LBB2_5:
0x6e: {  	v11 =	vld [tilespmem:s14+$0x1B0];
	s9 =	sadd.s32 $0x4, s9;
	[tilespmem:s2+$0x110] =	vst v9;
	v4 =	vadd.f32 v4, v3  }
0x6f: {  	v9 =	vld [tilespmem:s14+$0x10];
	p1 =	slt.u32 s9, $0x7C;
	[tilespmem:s2+$0x120] =	vst v10;
	v5 =	vadd.f32 v5, v0  }
0x70: {  	v10 =	vld [tilespmem:s14+$0x20];
	[tilespmem:s2+$0x130] =	vst v4;
	v4 =	vadd.f32 v6, v2  }
0x71: {  	v6 =	vld [tilespmem:s14+$0x30];
	[tilespmem:s2+$0x180] =	vst v5;
	v5 =	vadd.f32 v7, v1  }
0x72: {  	v7 =	vld [tilespmem:s14+$0x80];
	v8 =	vadd.f32 v8, v0;
	[tilespmem:s2+$0x190] =	vst v4  }
0x73: {  	v4 =	vld [tilespmem:s14+$0x90];
	v11 =	vadd.f32 v11, v3;
	[tilespmem:s2+$0x1A0] =	vst v5  }
0x74: {  	v5 =	vadd.f32 v9, v2;
	v9 =	vld [tilespmem:s14+$0xA0];
	[tilespmem:s2+$0x0] =	vst v8;
	s2 =	smov.u32 s14  }
0x75: {  	v8 =	vadd.f32 v10, v1;
	v10 =	vld [tilespmem:s14+$0xB0];
	[tilespmem:s14+$0x1B0] =	vst v11  }
0x76: {  	[tilespmem:s14+$0x10] =	vst v5;
	v5 =	vadd.f32 v6, v3;
	v6 =	vld [tilespmem:s14+$0x100]  }
0x77: {  	[tilespmem:s14+$0x20] =	vst v8;
	v7 =	vadd.f32 v7, v0;
	v8 =	vld [tilespmem:s14+$0x110]  }
0x78: {  	[tilespmem:s14+$0x30] =	vst v5;
	v5 =	vadd.f32 v4, v2;
	v11 =	vld [tilespmem:s14+$0x120]  }
.Ltmp1:
0x79: {  	[tilespmem:s14+$0x80] =	vst v7;
	v7 =	vadd.f32 v9, v1;
	v4 =	vld [tilespmem:s14+$0x130];
	(pc) =	sbr.rel @p1 .LBB2_5-.Ltmp1, $4  }
0x7a: {  	[tilespmem:s14+$0x90] =	vst v5;
	v9 =	vadd.f32 v10, v3;
	v5 =	vld [tilespmem:s14+$0x180]  }
0x7b: {  	[tilespmem:s14+$0xA0] =	vst v7;
	v10 =	vadd.f32 v6, v0;
	v6 =	vld [tilespmem:s14+$0x190]  }
0x7c: {  	[tilespmem:s14+$0xB0] =	vst v9;
	v9 =	vadd.f32 v8, v2;
	v7 =	vld [tilespmem:s14+$0x1A0]  }
0x7d: {  	s14 =	sadd.s32 $0x200, s14;
	v8 =	vld [tilespmem:s2+$0x0];
	[tilespmem:s2+$0x100] =	vst v10;
	v10 =	vadd.f32 v11, v1  }
0x7e: {  	[tilespmem:s2+$0x110] =	vst v9;
	v3 =	vadd.f32 v4, v3  }
0x7f: {  	[tilespmem:s2+$0x120] =	vst v10;
	v4 =	vadd.f32 v5, v0  }
0x80: {  	[tilespmem:s2+$0x130] =	vst v3;
	v2 =	vadd.f32 v6, v2  }
0x81: {  	s9 =	sshll.u32 s31, $0xB;
	[tilespmem:s2+$0x180] =	vst v4;
	v1 =	vadd.f32 v7, v1  }
0x82: {  	s9 =	sand.u32 $0xE800, s9;
	v0 =	vadd.f32 v8, v0;
	[tilespmem:s2+$0x190] =	vst v2  }
0x83: {  	s0 =	sshll.u32 s0, $0x10;
	s9 =	sadd.s32 s3, s9;
	[tilespmem:s2+$0x1A0] =	vst v1  }
0x84: {  	s0 =	sadd.s32 s0, s9;
	[tilespmem:s2+$0x0] =	vst v0  }
0x85: {  	[hbm4b:s0+s4] =	stream.linear.scatter [tilespmem:s13], [sflag:$0x6], $0x4000, $0x38;
	[tilespmem:$0x1C800] =	vst v63  }
0x86: {  	s0 =	simm.s32 @!p0 $0x6  }
0x87: {  	_ =	swait.ge @!p0 [sflag:s0], $0x4000  }
0x88: {  	s31 =	sor.u32 $0x2, s29;
	s14 =	simm.s32 @!p0 $0xA400;
	[sflag:s0] =	ssyncset.done @!p0 $0x0  }
0x89: {  	s9 =	simm.s32 @!p0 $0x80;
	[sflag:s0] =	ssyncadd.s32 @!p0 $0xFFFFC000;
	s0 =	sadd.s32 @!p0 $0x280, s30  }
0x8a: {  	[tilespmem:s14], [sflag:$0x2] =	stream.indirect.gather @!p0 [hbm4b:s1+s9], $0x80, s0, s9, $0xb8;
	[tilespmem:$0x1C800] =	vst v63  }
0x8b: {  	s29 =	sadd.s32 s6, s31;
	_ =	swait.ge [sflag:s19], $0x4000  }
0x8c: {  	s31 =	sshll.u32 s29, $0x2;
	[sflag:s19] =	ssyncset.done $0x0  }
0x8d: {  	s0 =	sand.u32 $0x3FFFFF80, s31;
	[sflag:s19] =	ssyncadd.s32 $0xFFFFC000  }
0x8e: {  	v0 =	vld [tilespmem:s0+$0x16400]  }
0x8f: {  	v2 =	vld [tilespmem:s0+$0x16410]  }
0x90: {  	v1 =	vld [tilespmem:s0+$0x16420]  }
0x91: {  	s2 =	simm.s32 $0xE400;
	v3 =	vld [tilespmem:s0+$0x16430]  }
0x92: {  	v4 =	vld [tilespmem:s2+$0x1B0]  }
0x93: {  	v5 =	vld [tilespmem:s2+$0x10]  }
0x94: {  	v6 =	vld [tilespmem:s2+$0x20]  }
0x95: {  	v7 =	vld [tilespmem:s2+$0x30]  }
0x96: {  	v8 =	vld [tilespmem:s2+$0x80]  }
0x97: {  	v9 =	vld [tilespmem:s2+$0x90];
	v4 =	vadd.f32 v4, v3  }
0x98: {  	v10 =	vld [tilespmem:s2+$0xA0];
	v5 =	vadd.f32 v5, v2  }
0x99: {  	v11 =	vld [tilespmem:s2+$0xB0];
	v6 =	vadd.f32 v6, v1;
	[tilespmem:s2+$0x1B0] =	vst v4  }
0x9a: {  	[tilespmem:s2+$0x10] =	vst v5;
	v4 =	vadd.f32 v7, v3;
	v7 =	vld [tilespmem:s2+$0x100]  }
0x9b: {  	[tilespmem:s2+$0x20] =	vst v6;
	v5 =	vadd.f32 v8, v0;
	v8 =	vld [tilespmem:s2+$0x110]  }
0x9c: {  	v12 =	vld [tilespmem:s2+$0x120];
	v6 =	vadd.f32 v9, v2;
	[tilespmem:s2+$0x30] =	vst v4  }
0x9d: {  	v9 =	vadd.f32 v10, v1;
	[tilespmem:s2+$0x80] =	vst v5;
	v4 =	vld [tilespmem:s2+$0x130]  }
0x9e: {  	v10 =	vadd.f32 v11, v3;
	[tilespmem:s2+$0x90] =	vst v6;
	v5 =	vld [tilespmem:s2+$0x180]  }
0x9f: {  	[tilespmem:s2+$0xA0] =	vst v9;
	v6 =	vld [tilespmem:s2+$0x190];
	v11 =	vadd.f32 v7, v0  }
0xa0: {  	[tilespmem:s2+$0xB0] =	vst v10;
	v7 =	vld [tilespmem:s2+$0x1A0];
	v9 =	vadd.f32 v8, v2  }
0xa1: {  	s9 =	simm.s32 $0x0;
	s14 =	simm.s32 $0xE600;
	s0 =	sshrl.u32 s29, $0x5;
	v10 =	vadd.f32 v12, v1;
	v8 =	vld [tilespmem:s2+$0x0];
	[tilespmem:s2+$0x100] =	vst v11  }
.LBB2_7:
0xa2: {  	v11 =	vld [tilespmem:s14+$0x1B0];
	s9 =	sadd.s32 $0x4, s9;
	[tilespmem:s2+$0x110] =	vst v9;
	v4 =	vadd.f32 v4, v3  }
0xa3: {  	v9 =	vld [tilespmem:s14+$0x10];
	p1 =	slt.u32 s9, $0x7C;
	[tilespmem:s2+$0x120] =	vst v10;
	v5 =	vadd.f32 v5, v0  }
0xa4: {  	v10 =	vld [tilespmem:s14+$0x20];
	[tilespmem:s2+$0x130] =	vst v4;
	v4 =	vadd.f32 v6, v2  }
0xa5: {  	v6 =	vld [tilespmem:s14+$0x30];
	[tilespmem:s2+$0x180] =	vst v5;
	v5 =	vadd.f32 v7, v1  }
0xa6: {  	v7 =	vld [tilespmem:s14+$0x80];
	v8 =	vadd.f32 v8, v0;
	[tilespmem:s2+$0x190] =	vst v4  }
0xa7: {  	v4 =	vld [tilespmem:s14+$0x90];
	v11 =	vadd.f32 v11, v3;
	[tilespmem:s2+$0x1A0] =	vst v5  }
0xa8: {  	v5 =	vadd.f32 v9, v2;
	v9 =	vld [tilespmem:s14+$0xA0];
	[tilespmem:s2+$0x0] =	vst v8;
	s2 =	smov.u32 s14  }
0xa9: {  	v8 =	vadd.f32 v10, v1;
	v10 =	vld [tilespmem:s14+$0xB0];
	[tilespmem:s14+$0x1B0] =	vst v11  }
0xaa: {  	[tilespmem:s14+$0x10] =	vst v5;
	v5 =	vadd.f32 v6, v3;
	v6 =	vld [tilespmem:s14+$0x100]  }
0xab: {  	[tilespmem:s14+$0x20] =	vst v8;
	v7 =	vadd.f32 v7, v0;
	v8 =	vld [tilespmem:s14+$0x110]  }
0xac: {  	[tilespmem:s14+$0x30] =	vst v5;
	v5 =	vadd.f32 v4, v2;
	v11 =	vld [tilespmem:s14+$0x120]  }
.Ltmp2:
0xad: {  	[tilespmem:s14+$0x80] =	vst v7;
	v7 =	vadd.f32 v9, v1;
	v4 =	vld [tilespmem:s14+$0x130];
	(pc) =	sbr.rel @p1 .LBB2_7-.Ltmp2, $4  }
0xae: {  	[tilespmem:s14+$0x90] =	vst v5;
	v9 =	vadd.f32 v10, v3;
	v5 =	vld [tilespmem:s14+$0x180]  }
0xaf: {  	[tilespmem:s14+$0xA0] =	vst v7;
	v10 =	vadd.f32 v6, v0;
	v6 =	vld [tilespmem:s14+$0x190]  }
0xb0: {  	[tilespmem:s14+$0xB0] =	vst v9;
	v9 =	vadd.f32 v8, v2;
	v7 =	vld [tilespmem:s14+$0x1A0]  }
0xb1: {  	s14 =	sadd.s32 $0x200, s14;
	v8 =	vld [tilespmem:s2+$0x0];
	[tilespmem:s2+$0x100] =	vst v10;
	v10 =	vadd.f32 v11, v1  }
0xb2: {  	[tilespmem:s2+$0x110] =	vst v9;
	v3 =	vadd.f32 v4, v3  }
0xb3: {  	[tilespmem:s2+$0x120] =	vst v10;
	v4 =	vadd.f32 v5, v0  }
0xb4: {  	[tilespmem:s2+$0x130] =	vst v3;
	v2 =	vadd.f32 v6, v2  }
0xb5: {  	s9 =	sshll.u32 s29, $0xB;
	[tilespmem:s2+$0x180] =	vst v4;
	v1 =	vadd.f32 v7, v1  }
0xb6: {  	s9 =	sand.u32 $0xF000, s9;
	v0 =	vadd.f32 v8, v0;
	[tilespmem:s2+$0x190] =	vst v2  }
0xb7: {  	s0 =	sshll.u32 s0, $0x10;
	s9 =	sadd.s32 s3, s9;
	[tilespmem:s2+$0x1A0] =	vst v1  }
0xb8: {  	s0 =	sadd.s32 s0, s9;
	[tilespmem:s2+$0x0] =	vst v0  }
0xb9: {  	[hbm4b:s0+s4] =	stream.linear.scatter [tilespmem:s15], [sflag:$0x7], $0x4000, $0x38;
	[tilespmem:$0x1C800] =	vst v63  }
0xba: {  	s0 =	simm.s32 @!p0 $0x7  }
0xbb: {  	_ =	swait.ge @!p0 [sflag:s0], $0x4000  }
0xbc: {  	s9 =	simm.s32 @!p0 $0xE400;
	[sflag:s0] =	ssyncset.done @!p0 $0x0  }
0xbd: {  	s2 =	simm.s32 @!p0 $0x80;
	[sflag:s0] =	ssyncadd.s32 @!p0 $0xFFFFC000;
	s0 =	sadd.s32 @!p0 $0x300, s30  }
0xbe: {  	[tilespmem:s9], [sflag:$0x3] =	stream.indirect.gather @!p0 [hbm4b:s1+s2], $0x80, s0, s2, $0xb8;
	[tilespmem:$0x1C800] =	vst v63  }
0xbf: {  	s28 =	sadd.s32 s6, s28;
	_ =	swait.ge [sflag:s20], $0x4000  }
0xc0: {  	s31 =	sshll.u32 s28, $0x2;
	[sflag:s20] =	ssyncset.done $0x0  }
0xc1: {  	s0 =	sand.u32 $0x3FFFFF80, s31;
	[sflag:s20] =	ssyncadd.s32 $0xFFFFC000  }
0xc2: {  	v0 =	vld [tilespmem:s0+$0x16400]  }
0xc3: {  	v2 =	vld [tilespmem:s0+$0x16410]  }
0xc4: {  	v1 =	vld [tilespmem:s0+$0x16420]  }
0xc5: {  	s2 =	simm.s32 $0x12400;
	v3 =	vld [tilespmem:s0+$0x16430]  }
0xc6: {  	v4 =	vld [tilespmem:s2+$0x1B0]  }
0xc7: {  	v5 =	vld [tilespmem:s2+$0x10]  }
0xc8: {  	v6 =	vld [tilespmem:s2+$0x20]  }
0xc9: {  	v7 =	vld [tilespmem:s2+$0x30]  }
0xca: {  	v8 =	vld [tilespmem:s2+$0x80]  }
0xcb: {  	v9 =	vld [tilespmem:s2+$0x90];
	v4 =	vadd.f32 v4, v3  }
0xcc: {  	v10 =	vld [tilespmem:s2+$0xA0];
	v5 =	vadd.f32 v5, v2  }
0xcd: {  	v11 =	vld [tilespmem:s2+$0xB0];
	v6 =	vadd.f32 v6, v1;
	[tilespmem:s2+$0x1B0] =	vst v4  }
0xce: {  	[tilespmem:s2+$0x10] =	vst v5;
	v4 =	vadd.f32 v7, v3;
	v7 =	vld [tilespmem:s2+$0x100]  }
0xcf: {  	[tilespmem:s2+$0x20] =	vst v6;
	v5 =	vadd.f32 v8, v0;
	v8 =	vld [tilespmem:s2+$0x110]  }
0xd0: {  	v12 =	vld [tilespmem:s2+$0x120];
	v6 =	vadd.f32 v9, v2;
	[tilespmem:s2+$0x30] =	vst v4  }
0xd1: {  	v9 =	vadd.f32 v10, v1;
	[tilespmem:s2+$0x80] =	vst v5;
	v4 =	vld [tilespmem:s2+$0x130]  }
0xd2: {  	v10 =	vadd.f32 v11, v3;
	[tilespmem:s2+$0x90] =	vst v6;
	v5 =	vld [tilespmem:s2+$0x180]  }
0xd3: {  	[tilespmem:s2+$0xA0] =	vst v9;
	v6 =	vld [tilespmem:s2+$0x190];
	v11 =	vadd.f32 v7, v0  }
0xd4: {  	[tilespmem:s2+$0xB0] =	vst v10;
	v7 =	vld [tilespmem:s2+$0x1A0];
	v9 =	vadd.f32 v8, v2  }
0xd5: {  	s14 =	simm.s32 $0x12600;
	s9 =	simm.s32 $0x0;
	s0 =	sshrl.u32 s28, $0x5;
	v10 =	vadd.f32 v12, v1;
	v8 =	vld [tilespmem:s2+$0x0];
	[tilespmem:s2+$0x100] =	vst v11  }
.LBB2_9:
0xd6: {  	v11 =	vld [tilespmem:s14+$0x1B0];
	s9 =	sadd.s32 $0x4, s9;
	[tilespmem:s2+$0x110] =	vst v9;
	v4 =	vadd.f32 v4, v3  }
0xd7: {  	v9 =	vld [tilespmem:s14+$0x10];
	p0 =	slt.u32 s9, $0x7C;
	[tilespmem:s2+$0x120] =	vst v10;
	v5 =	vadd.f32 v5, v0  }
0xd8: {  	v10 =	vld [tilespmem:s14+$0x20];
	[tilespmem:s2+$0x130] =	vst v4;
	v4 =	vadd.f32 v6, v2  }
0xd9: {  	v6 =	vld [tilespmem:s14+$0x30];
	[tilespmem:s2+$0x180] =	vst v5;
	v5 =	vadd.f32 v7, v1  }
0xda: {  	v7 =	vld [tilespmem:s14+$0x80];
	v8 =	vadd.f32 v8, v0;
	[tilespmem:s2+$0x190] =	vst v4  }
0xdb: {  	v4 =	vld [tilespmem:s14+$0x90];
	v11 =	vadd.f32 v11, v3;
	[tilespmem:s2+$0x1A0] =	vst v5  }
0xdc: {  	v5 =	vadd.f32 v9, v2;
	v9 =	vld [tilespmem:s14+$0xA0];
	[tilespmem:s2+$0x0] =	vst v8;
	s2 =	smov.u32 s14  }
0xdd: {  	v8 =	vadd.f32 v10, v1;
	v10 =	vld [tilespmem:s14+$0xB0];
	[tilespmem:s14+$0x1B0] =	vst v11  }
0xde: {  	[tilespmem:s14+$0x10] =	vst v5;
	v5 =	vadd.f32 v6, v3;
	v6 =	vld [tilespmem:s14+$0x100]  }
0xdf: {  	[tilespmem:s14+$0x20] =	vst v8;
	v7 =	vadd.f32 v7, v0;
	v8 =	vld [tilespmem:s14+$0x110]  }
0xe0: {  	[tilespmem:s14+$0x30] =	vst v5;
	v5 =	vadd.f32 v4, v2;
	v11 =	vld [tilespmem:s14+$0x120]  }
.Ltmp3:
0xe1: {  	[tilespmem:s14+$0x80] =	vst v7;
	v7 =	vadd.f32 v9, v1;
	v4 =	vld [tilespmem:s14+$0x130];
	(pc) =	sbr.rel @p0 .LBB2_9-.Ltmp3, $4  }
0xe2: {  	[tilespmem:s14+$0x90] =	vst v5;
	v9 =	vadd.f32 v10, v3;
	v5 =	vld [tilespmem:s14+$0x180]  }
0xe3: {  	[tilespmem:s14+$0xA0] =	vst v7;
	v10 =	vadd.f32 v6, v0;
	v6 =	vld [tilespmem:s14+$0x190]  }
0xe4: {  	[tilespmem:s14+$0xB0] =	vst v9;
	v9 =	vadd.f32 v8, v2;
	v7 =	vld [tilespmem:s14+$0x1A0]  }
0xe5: {  	s14 =	sadd.s32 $0x200, s14;
	v8 =	vld [tilespmem:s2+$0x0];
	[tilespmem:s2+$0x100] =	vst v10;
	v10 =	vadd.f32 v11, v1  }
0xe6: {  	[tilespmem:s2+$0x110] =	vst v9;
	v3 =	vadd.f32 v4, v3  }
0xe7: {  	s26 =	sadd.s32 $0x1, s26;
	[tilespmem:s2+$0x120] =	vst v10;
	v62 =	vadd.f32 v5, v0  }
0xe8: {  	p0 =	sne.s32 s26, $0x32;
	[tilespmem:s2+$0x130] =	vst v3;
	v2 =	vadd.f32 v6, v2  }
.Ltmp4:
0xe9: {  	s9 =	sshll.u32 s28, $0xB;
	[tilespmem:s2+$0x180] =	vst v62;
	v1 =	vadd.f32 v7, v1;
	(pc) =	sbr.rel @p0 .LBB2_2-.Ltmp4, $4  }
0xea: {  	s9 =	sand.u32 $0xF800, s9;
	v63 =	vadd.f32 v8, v0;
	[tilespmem:s2+$0x190] =	vst v2  }
0xeb: {  	s0 =	sshll.u32 s0, $0x10;
	s9 =	sadd.s32 s3, s9;
	[tilespmem:s2+$0x1A0] =	vst v1  }
0xec: {  	s0 =	sadd.s32 s0, s9;
	[tilespmem:s2+$0x0] =	vst v63  }
0xed: {  	[hbm4b:s0+s4] =	stream.linear.scatter [tilespmem:s16], [sflag:$0x8], $0x4000, $0x38;
	[tilespmem:$0x1C800] =	vst v63  }
0xee: {  	_ =	swait.ge [sflag:s21], $0x4000  }
0xef: {  	[sflag:s21] =	ssyncset.done $0x0  }
0xf0: {  	[sflag:s21] =	ssyncadd.s32 $0xFFFFC000  }
0xf1: {  	_ =	swait.ge [sflag:s22], $0x4000  }
0xf2: {  	[sflag:s22] =	ssyncset.done $0x0  }
0xf3: {  	s25 =	sadd.s32 $0x1, s25;
	[sflag:s22] =	ssyncadd.s32 $0xFFFFC000  }
0xf4: {  	p0 =	sne.s32 s25, s8;
	_ =	swait.ge [sflag:s23], $0x4000  }
.Ltmp5:
0xf5: {  	[sflag:s23] =	ssyncset.done $0x0;
	(pc) =	sbr.rel @p0 .LBB2_1-.Ltmp5, $4  }
0xf6: {  	[sflag:s23] =	ssyncadd.s32 $0xFFFFC000  }
0xf7: {  	_ =	swait.ge [sflag:s24], $0x4000  }
0xf8: {  	[sflag:s24] =	ssyncset.done $0x0  }
0xf9: {  	[sflag:s24] =	ssyncadd.s32 $0xFFFFC000  }
0xfa: {  	_ =	sfence.sel $0x180000  }
0xfb: {  	[bflag:$0x0] =	sbarrier.arrive $0xFFFF  }
0xfc: {  	_ =	strace $0x90000047  }
0xfd: {  	s0 =	stileid.u32;
	[bflag:$0x2] =	sbarrier.arrive $0xFFFF  }
0xfe: {  	p0 =	sne.s32 s0, $0x0;
	s0 =	rddreg [dreg:$0x4]  }
0xff: {  	s0 =	sadd.s32 @!p0 $0x100000, s0  }
0x100: {  	[sflag:s0] =	ssyncadd.tile.s32 @!p0 $0x1;
	_ =	shalt  }
.Lfunc_end2:
_tile_overlayer_lowered:
.L_overlay_start_2:
0x101: {  	(tag) =	ssettag $0x2  }
0x102: {  	s0 =	rddreg [dreg:$0x0];
	s2 =	stileid.u32  }
0x103: {  	s1 =	rddreg [dreg:$0x1];
	p0 =	sne.s32 s2, $0x0  }
0x104: {  	s3 =	rddreg [dreg:$0x2];
	[bflag:$0x3] =	sbarrier.arrive $0xFFFF;
	s2 =	simm.s32 @!p0 $0x1C09  }
0x105: {  	[timem:s3], [sflag:s2] =	dma.local @!p0 [hbm:s0], s1  }
0x106: {  	s0 =	simm.s32 @!p0 $0x9  }
0x107: {  	_ =	swait.ge @!p0 [sflag:s0], s1  }
0x108: {  	s1 =	ssub.s32 @!p0 $0x0, s1;
	[sflag:s0] =	ssyncset.done @!p0 $0x0  }
0x109: {  	[sflag:s0] =	ssyncadd.s32 @!p0 s1  }
0x10a: {  	[bflag:$0x3] =	sbarrier.arrive $0xFFFF  }
0x10b: {  	_ =	shalt  }

</sc_bundles>
